<compile_context>
chip_gen: v7x
topology: tpu7x:2x2x1
jax: 0.10.2.dev20260603
libtpu: 0.0.44.dev20260713+nightly
codegen_flags: <defaults>
</compile_context>

<pallas_src>
import functools

import jax
import jax.numpy as jnp
from jax import lax
from jax.experimental import pallas as pl

K_NN = 50
MAX_ITER = 20
ALPHA = 0.99
THRESHOLD = 0.4
NUM_CLASSES = 10

_BR = 128
_BC = 128
_KPAD = 64


def _sim_body(a_ref, b_ref, o_ref):
    i = pl.program_id(0)
    j = pl.program_id(1)
    c = lax.dot_general(a_ref[...], b_ref[...], (((1,), (1,)), ((), ())),
                        preferred_element_type=jnp.float32)
    ri = lax.broadcasted_iota(jnp.int32, (_BR, _BC), 0)
    ci = lax.broadcasted_iota(jnp.int32, (_BR, _BC), 1)
    o_ref[...] = jnp.where(jnp.logical_and(ri == ci, i == j), -3.0, c)


def _topk_body(s_ref, dk_ref, ik_ref, n_total):
    s = s_ref[...]
    ci = lax.broadcasted_iota(jnp.int32, s.shape, 1)
    vals = []
    poss = []
    for _ in range(K_NN):
        m = jnp.max(s, axis=1)
        cont = s == m[:, None]
        pos = jnp.min(jnp.where(cont, ci, n_total), axis=1)
        vals.append(m)
        poss.append(pos)
        s = jnp.where(ci == pos[:, None], -3.0, s)
    dk = jnp.stack(vals, axis=1)
    ik = jnp.stack(poss, axis=1)
    pad = _KPAD - K_NN
    dk = jnp.concatenate([dk * dk * dk, jnp.zeros((s.shape[0], pad), jnp.float32)], axis=1)
    ik = jnp.concatenate([ik, jnp.zeros((s.shape[0], pad), jnp.int32)], axis=1)
    dk_ref[...] = dk
    ik_ref[...] = ik


def _bbuild_body(dk_ref, ik_ref, b_ref, n_total):
    dk = dk_ref[...]
    ik = ik_ref[...]
    ci = lax.broadcasted_iota(jnp.int32, (_BR, n_total), 1)
    acc = jnp.zeros((_BR, n_total), jnp.float32)
    for j in range(K_NN):
        acc = acc + jnp.where(ci == ik[:, j][:, None], dk[:, j][:, None], 0.0)
    b_ref[...] = acc


def _wbuild_body(b1_ref, b2_ref, w_ref):
    w_ref[...] = b1_ref[...] + b2_ref[...].T


def _abuild_body(w_ref, dr_ref, dc_ref, a_ref):
    r = pl.program_id(0)
    c = pl.program_id(1)
    wn = (dr_ref[...] * w_ref[...]) * dc_ref[...]
    ri = lax.broadcasted_iota(jnp.int32, (_BR, _BC), 0)
    ci = lax.broadcasted_iota(jnp.int32, (_BR, _BC), 1)
    eye = jnp.where(jnp.logical_and(ri == ci, r == c), 1.0, 0.0)
    a_ref[...] = eye - ALPHA * wn


def kernel(X, labels, labels_mask, idxs):
    n, d_feat = X.shape
    gr = n // _BR
    gc = n // _BC
    f32 = jnp.float32

    xn = X / jnp.maximum(jnp.linalg.norm(X, axis=1, keepdims=True), 1e-12)

    sim = pl.pallas_call(
        _sim_body,
        grid=(gr, gc),
        in_specs=[
            pl.BlockSpec((_BR, d_feat), lambda i, j: (i, 0)),
            pl.BlockSpec((_BC, d_feat), lambda i, j: (j, 0)),
        ],
        out_specs=pl.BlockSpec((_BR, _BC), lambda i, j: (i, j)),
        out_shape=jax.ShapeDtypeStruct((n, n), f32),
    )(xn, xn)

    dk, ik = pl.pallas_call(
        functools.partial(_topk_body, n_total=n),
        grid=(gr,),
        in_specs=[pl.BlockSpec((_BR, n), lambda i: (i, 0))],
        out_specs=[
            pl.BlockSpec((_BR, _KPAD), lambda i: (i, 0)),
            pl.BlockSpec((_BR, _KPAD), lambda i: (i, 0)),
        ],
        out_shape=[
            jax.ShapeDtypeStruct((n, _KPAD), f32),
            jax.ShapeDtypeStruct((n, _KPAD), jnp.int32),
        ],
    )(sim)

    b_mat = pl.pallas_call(
        functools.partial(_bbuild_body, n_total=n),
        grid=(gr,),
        in_specs=[
            pl.BlockSpec((_BR, _KPAD), lambda i: (i, 0)),
            pl.BlockSpec((_BR, _KPAD), lambda i: (i, 0)),
        ],
        out_specs=pl.BlockSpec((_BR, n), lambda i: (i, 0)),
        out_shape=jax.ShapeDtypeStruct((n, n), f32),
    )(dk, ik)

    w_mat = pl.pallas_call(
        _wbuild_body,
        grid=(gr, gc),
        in_specs=[
            pl.BlockSpec((_BR, _BC), lambda r, c: (r, c)),
            pl.BlockSpec((_BC, _BR), lambda r, c: (c, r)),
        ],
        out_specs=pl.BlockSpec((_BR, _BC), lambda r, c: (r, c)),
        out_shape=jax.ShapeDtypeStruct((n, n), f32),
    )(b_mat, b_mat)

    s_vec = w_mat.sum(axis=1)
    s_vec = jnp.where(s_vec == 0, 1.0, s_vec)
    dinv = 1.0 / jnp.sqrt(s_vec)

    a_mat = pl.pallas_call(
        _abuild_body,
        grid=(gr, gc),
        in_specs=[
            pl.BlockSpec((_BR, _BC), lambda r, c: (r, c)),
            pl.BlockSpec((_BR, 1), lambda r, c: (r, 0)),
            pl.BlockSpec((1, _BC), lambda r, c: (0, c)),
        ],
        out_specs=pl.BlockSpec((_BR, _BC), lambda r, c: (r, c)),
        out_shape=jax.ShapeDtypeStruct((n, n), f32),
    )(w_mat, dinv[:, None], dinv[None, :])

    matvec = lambda v: a_mat @ v
    z_cols = []
    for i in range(NUM_CLASSES):
        sel = labels_mask & (labels == i)
        cnt = jnp.maximum(jnp.sum(sel), 1)
        vals = jnp.where(sel, (1.0 / cnt).astype(f32), jnp.zeros((), f32))
        y = jnp.zeros((n,), f32).at[idxs].set(vals)
        f, _ = jax.scipy.sparse.linalg.cg(matvec, y, tol=1e-6, maxiter=MAX_ITER)
        z_cols.append(f)
    z = jnp.stack(z_cols, axis=1)
    z = jnp.where(z < 0, 0.0, z)
    probs_l1 = z / jnp.maximum(jnp.sum(jnp.abs(z), axis=1, keepdims=True), 1e-12)
    probs_l1 = jnp.where(probs_l1 < 0, 0.0, probs_l1)
    pseudo = jax.nn.softmax(probs_l1, axis=-1)
    max_probs = jnp.max(pseudo, axis=-1)
    mask = (max_probs >= THRESHOLD).astype(f32)
    p_labels = jnp.argmax(pseudo, axis=1)
    acc = jnp.mean((p_labels == labels).astype(f32))
    p_labels = p_labels.at[idxs].set(jnp.where(labels_mask, labels, p_labels[idxs]))
    weights = jnp.where(jnp.isnan(mask), 0.0, mask)
    return (p_labels, acc, weights)

# --- scband reference (transcript-rebuilt; emitter-appended) ---
"""Pipeline reference for scband-graph-label-propagation-56246891708646 (READ-ONLY COPY).

The authoritative reference and input builder live on the scoring server;
editing this copy changes nothing except your own understanding.
"""

import jax, jax.numpy as jnp
import numpy as np

K_NN = 50
MAX_ITER = 20
ALPHA = 0.99
THRESHOLD = 0.4
NUM_CLASSES = 10
N = 4096
D_FEAT = 512


def setup_inputs(seed: int = 0) -> dict:
    key = jax.random.key(seed)
    k1, k2, k3 = jax.random.split(key, 3)
    X = jax.random.normal(k1, (N, D_FEAT), dtype=jnp.float32)
    labels = jax.random.randint(k2, (N,), 0, NUM_CLASSES)
    labels_mask = jax.random.randint(k3, (N,), 0, 2).astype(bool)
    idxs = jnp.arange(N)
    return {"X": X, "labels": labels, "labels_mask": labels_mask, "idxs": idxs}


def reference(X, labels, labels_mask, idxs):
    num_classes = NUM_CLASSES
    n, d = X.shape
    k = K_NN
    # faiss.normalize_L2(X): in-place row L2 normalization
    Xn = X / jnp.maximum(jnp.linalg.norm(X, axis=1, keepdims=True), 1e-12)
    # GpuIndexFlatIP exact search: all-pairs inner products + top-(k+1)
    sim = Xn @ Xn.T
    Dk, Ik = jax.lax.top_k(sim, k + 1)
    Dk = Dk[:, 1:] ** 3
    Ik = Ik[:, 1:]
    rows = jnp.tile(jnp.arange(n)[:, None], (1, k))
    # scipy.sparse.csr_matrix((vals,(rows,cols))) sums duplicates -> scatter-add
    W = jnp.zeros((n, n), X.dtype).at[rows.reshape(-1), Ik.reshape(-1)].add(Dk.reshape(-1))
    W = W + W.T
    W = W - jnp.diag(jnp.diag(W))
    S = W.sum(axis=1)
    S = jnp.where(S == 0, 1.0, S)
    Dinv = 1.0 / jnp.sqrt(S)
    Wn = Dinv[:, None] * W * Dinv[None, :]
    A = jnp.eye(n, dtype=X.dtype) - ALPHA * Wn
    matvec = lambda v: A @ v
    Z_cols = []
    for i in range(num_classes):
        sel = labels_mask & (labels == i)
        cnt = jnp.maximum(jnp.sum(sel), 1)
        vals = jnp.where(sel, (1.0 / cnt).astype(X.dtype), jnp.zeros((), X.dtype))
        y = jnp.zeros((n,), X.dtype).at[idxs].set(vals)
        f, _ = jax.scipy.sparse.linalg.cg(matvec, y, tol=1e-6, maxiter=MAX_ITER)
        Z_cols.append(f)
    Z = jnp.stack(Z_cols, axis=1)
    Z = jnp.where(Z < 0, 0.0, Z)
    # torch.nn.functional.normalize(Z, 1): L1 row normalization (eps=1e-12)
    probs_l1 = Z / jnp.maximum(jnp.sum(jnp.abs(Z), axis=1, keepdims=True), 1e-12)
    probs_l1 = jnp.where(probs_l1 < 0, 0.0, probs_l1)
    pseudo = jax.nn.softmax(probs_l1, axis=-1)
    max_probs = jnp.max(pseudo, axis=-1)
    mask = (max_probs >= THRESHOLD).astype(jnp.float32)
    p_labels = jnp.argmax(pseudo, axis=1)
    acc = jnp.mean((p_labels == labels).astype(jnp.float32))
    p_labels = p_labels.at[idxs].set(jnp.where(labels_mask, labels, p_labels[idxs]))
    weights = jnp.where(jnp.isnan(mask), 0.0, mask)
    return (p_labels, acc, weights)

if __name__ == "__main__":
    import jax
    _d = setup_inputs()
    print(jax.jit(kernel)(*tuple(_d.values())))

</pallas_src>

<mosaic_0001>
module attributes {stable_mosaic.version = 14 : i64} {
  func.func @_sim_body(%arg0: i32, %arg1: i32, %arg2: memref<128x512xf32, #tpu.memory_space<vmem>>, %arg3: memref<128x512xf32, #tpu.memory_space<vmem>>, %arg4: memref<128x128xf32, #tpu.memory_space<vmem>>) attributes {dimension_semantics = [#tpu.dimension_semantics<arbitrary>, #tpu.dimension_semantics<arbitrary>], iteration_bounds = array<i64: 32, 32>, scalar_prefetch = 0 : i64, scratch_operands = 0 : i64, tpu.core_type = #tpu.core_type<tc>, window_params = [{transform_indices = @transform_0, window_bounds = array<i64: 128, 512>}, {transform_indices = @transform_1, window_bounds = array<i64: 128, 512>}, {transform_indices = @transform_2, window_bounds = array<i64: 128, 128>}]} {
    %get3A = arith.constant 0 : index
    %get3A_0 = arith.constant 0 : index
    %get3A_1 = vector.load %arg2[%get3A, %get3A_0] : memref<128x512xf32, #tpu.memory_space<vmem>>, vector<128x512xf32>
    %get3A_2 = arith.constant 0 : index
    %get3A_3 = arith.constant 0 : index
    %get3A_4 = vector.load %arg3[%get3A_2, %get3A_3] : memref<128x512xf32, #tpu.memory_space<vmem>>, vector<128x512xf32>
    %dot_general3A = arith.constant dense<0.000000e+00> : vector<128x128xf32>
    %dot_general3A_5 = tpu.matmul %get3A_1, %get3A_4, %dot_general3A {dimension_numbers = #tpu.dot_dimension_numbers<[1], [1], [0], [0], [0, 0, 1, 0], [], []>, transpose_lhs_hint = false} : vector<128x512xf32>, vector<128x512xf32>, vector<128x128xf32> -> vector<128x128xf32>
    %iota3A = tpu.iota {dimensions = array<i32: 0>} : vector<128x128xi32>
    %iota3A_6 = tpu.iota {dimensions = array<i32: 1>} : vector<128x128xi32>
    %eq3A = arith.cmpi eq, %iota3A, %iota3A_6 : vector<128x128xi32>
    %eq3A_7 = arith.cmpi eq, %arg0, %arg1 : i32
    %and3A = vector.broadcast %eq3A_7 : i1 to vector<128x128xi1>
    %and3A_8 = arith.andi %eq3A, %and3A : vector<128x128xi1>
    %jit3A = arith.constant -3.000000e+00 : f32
    %broadcast_in_dim3A = vector.broadcast %jit3A : f32 to vector<128x128xf32>
    %select_n3A = arith.select %and3A_8, %broadcast_in_dim3A, %dot_general3A_5 : vector<128x128xi1>, vector<128x128xf32>
    %swap3A = arith.constant 0 : index
    %swap3A_9 = arith.constant 0 : index
    %swap3A_10 = vector.load %arg4[%swap3A, %swap3A_9] : memref<128x128xf32, #tpu.memory_space<vmem>>, vector<128x128xf32>
    tpu.vector_store %arg4[%swap3A, %swap3A_9], %select_n3A {strides = array<i32>} : memref<128x128xf32, #tpu.memory_space<vmem>>, vector<128x128xf32>,
    return
  }
  func.func @transform_0(%arg0: i32, %arg1: i32) -> (i32, i32) {
    %c0_i32 = arith.constant 0 : i32
    %c0_i32_0 = arith.constant 0 : i32
    return %arg0, %c0_i32 : i32, i32
  }
  func.func @transform_1(%arg0: i32, %arg1: i32) -> (i32, i32) {
    %c0_i32 = arith.constant 0 : i32
    %c0_i32_0 = arith.constant 0 : i32
    return %arg1, %c0_i32 : i32, i32
  }
  func.func @transform_2(%arg0: i32, %arg1: i32) -> (i32, i32) {
    %c0_i32 = arith.constant 0 : i32
    return %arg0, %arg1 : i32, i32
  }
}

module attributes {stable_mosaic.version = 14 : i64} {
  func.func @_topk_body(%arg0: i32, %arg1: memref<128x4096xf32, #tpu.memory_space<vmem>>, %arg2: memref<128x64xf32, #tpu.memory_space<vmem>>, %arg3: memref<128x64xi32, #tpu.memory_space<vmem>>) attributes {dimension_semantics = [#tpu.dimension_semantics<arbitrary>], iteration_bounds = array<i64: 32>, scalar_prefetch = 0 : i64, scratch_operands = 0 : i64, tpu.core_type = #tpu.core_type<tc>, window_params = [{transform_indices = @transform_0, window_bounds = array<i64: 128, 4096>}, {transform_indices = @transform_1, window_bounds = array<i64: 128, 64>}, {transform_indices = @transform_2, window_bounds = array<i64: 128, 64>}]} {
    %get3A = arith.constant 0 : index
    %get3A_0 = arith.constant 0 : index
    %get3A_1 = vector.load %arg1[%get3A, %get3A_0] : memref<128x4096xf32, #tpu.memory_space<vmem>>, vector<128x4096xf32>
    %iota3A = tpu.iota {dimensions = array<i32: 1>} : vector<128x4096xi32>
    %reduce_max3A = arith.constant dense<0xFF800000> : vector<128xf32>
    %reduce_max3A_2 = vector.multi_reduction <maximumf>, %get3A_1, %reduce_max3A [1] : vector<128x4096xf32> to vector<128xf32>
    %broadcast_in_dim3A = vector.shape_cast %reduce_max3A_2 : vector<128xf32> to vector<128x1xf32>
    %eq3A = vector.broadcast %broadcast_in_dim3A : vector<128x1xf32> to vector<128x4096xf32>
    %eq3A_3 = arith.cmpf oeq, %get3A_1, %eq3A : vector<128x4096xf32>
    %jit3A = arith.constant 4096 : i32
    %broadcast_in_dim3A_4 = vector.broadcast %jit3A : i32 to vector<128x4096xi32>
    %select_n3A = arith.select %eq3A_3, %iota3A, %broadcast_in_dim3A_4 : vector<128x4096xi1>, vector<128x4096xi32>
    %reduce_min3A = arith.constant dense<2147483647> : vector<128xi32>
    %reduce_min3A_5 = vector.multi_reduction <minsi>, %select_n3A, %reduce_min3A [1] : vector<128x4096xi32> to vector<128xi32>
    %broadcast_in_dim3A_6 = vector.shape_cast %reduce_min3A_5 : vector<128xi32> to vector<128x1xi32>
    %eq3A_7 = vector.broadcast %broadcast_in_dim3A_6 : vector<128x1xi32> to vector<128x4096xi32>
    %eq3A_8 = arith.cmpi eq, %iota3A, %eq3A_7 : vector<128x4096xi32>
    %jit3A_9 = arith.constant -3.000000e+00 : f32
    %broadcast_in_dim3A_10 = vector.broadcast %jit3A_9 : f32 to vector<128x4096xf32>
    %select_n3A_11 = arith.select %eq3A_8, %broadcast_in_dim3A_10, %get3A_1 : vector<128x4096xi1>, vector<128x4096xf32>
    %reduce_max3A_12 = arith.constant dense<0xFF800000> : vector<128xf32>
    %reduce_max3A_13 = vector.multi_reduction <maximumf>, %select_n3A_11, %reduce_max3A_12 [1] : vector<128x4096xf32> to vector<128xf32>
    %broadcast_in_dim3A_14 = vector.shape_cast %reduce_max3A_13 : vector<128xf32> to vector<128x1xf32>
    %eq3A_15 = vector.broadcast %broadcast_in_dim3A_14 : vector<128x1xf32> to vector<128x4096xf32>
    %eq3A_16 = arith.cmpf oeq, %select_n3A_11, %eq3A_15 : vector<128x4096xf32>
    %jit3A_17 = arith.constant 4096 : i32
    %broadcast_in_dim3A_18 = vector.broadcast %jit3A_17 : i32 to vector<128x4096xi32>
    %select_n3A_19 = arith.select %eq3A_16, %iota3A, %broadcast_in_dim3A_18 : vector<128x4096xi1>, vector<128x4096xi32>
    %reduce_min3A_20 = arith.constant dense<2147483647> : vector<128xi32>
    %reduce_min3A_21 = vector.multi_reduction <minsi>, %select_n3A_19, %reduce_min3A_20 [1] : vector<128x4096xi32> to vector<128xi32>
    %broadcast_in_dim3A_22 = vector.shape_cast %reduce_min3A_21 : vector<128xi32> to vector<128x1xi32>
    %eq3A_23 = vector.broadcast %broadcast_in_dim3A_22 : vector<128x1xi32> to vector<128x4096xi32>
    %eq3A_24 = arith.cmpi eq, %iota3A, %eq3A_23 : vector<128x4096xi32>
    %jit3A_25 = arith.constant -3.000000e+00 : f32
    %broadcast_in_dim3A_26 = vector.broadcast %jit3A_25 : f32 to vector<128x4096xf32>
    %select_n3A_27 = arith.select %eq3A_24, %broadcast_in_dim3A_26, %select_n3A_11 : vector<128x4096xi1>, vector<128x4096xf32>
    %reduce_max3A_28 = arith.constant dense<0xFF800000> : vector<128xf32>
    %reduce_max3A_29 = vector.multi_reduction <maximumf>, %select_n3A_27, %reduce_max3A_28 [1] : vector<128x4096xf32> to vector<128xf32>
    %broadcast_in_dim3A_30 = vector.shape_cast %reduce_max3A_29 : vector<128xf32> to vector<128x1xf32>
    %eq3A_31 = vector.broadcast %broadcast_in_dim3A_30 : vector<128x1xf32> to vector<128x4096xf32>
    %eq3A_32 = arith.cmpf oeq, %select_n3A_27, %eq3A_31 : vector<128x4096xf32>
    %jit3A_33 = arith.constant 4096 : i32
    %broadcast_in_dim3A_34 = vector.broadcast %jit3A_33 : i32 to vector<128x4096xi32>
    %select_n3A_35 = arith.select %eq3A_32, %iota3A, %broadcast_in_dim3A_34 : vector<128x4096xi1>, vector<128x4096xi32>
    %reduce_min3A_36 = arith.constant dense<2147483647> : vector<128xi32>
    %reduce_min3A_37 = vector.multi_reduction <minsi>, %select_n3A_35, %reduce_min3A_36 [1] : vector<128x4096xi32> to vector<128xi32>
    %broadcast_in_dim3A_38 = vector.shape_cast %reduce_min3A_37 : vector<128xi32> to vector<128x1xi32>
    %eq3A_39 = vector.broadcast %broadcast_in_dim3A_38 : vector<128x1xi32> to vector<128x4096xi32>
    %eq3A_40 = arith.cmpi eq, %iota3A, %eq3A_39 : vector<128x4096xi32>
    %jit3A_41 = arith.constant -3.000000e+00 : f32
    %broadcast_in_dim3A_42 = vector.broadcast %jit3A_41 : f32 to vector<128x4096xf32>
    %select_n3A_43 = arith.select %eq3A_40, %broadcast_in_dim3A_42, %select_n3A_27 : vector<128x4096xi1>, vector<128x4096xf32>
    %reduce_max3A_44 = arith.constant dense<0xFF800000> : vector<128xf32>
    %reduce_max3A_45 = vector.multi_reduction <maximumf>, %select_n3A_43, %reduce_max3A_44 [1] : vector<128x4096xf32> to vector<128xf32>
    %broadcast_in_dim3A_46 = vector.shape_cast %reduce_max3A_45 : vector<128xf32> to vector<128x1xf32>
    %eq3A_47 = vector.broadcast %broadcast_in_dim3A_46 : vector<128x1xf32> to vector<128x4096xf32>
    %eq3A_48 = arith.cmpf oeq, %select_n3A_43, %eq3A_47 : vector<128x4096xf32>
    %jit3A_49 = arith.constant 4096 : i32
    %broadcast_in_dim3A_50 = vector.broadcast %jit3A_49 : i32 to vector<128x4096xi32>
    %select_n3A_51 = arith.select %eq3A_48, %iota3A, %broadcast_in_dim3A_50 : vector<128x4096xi1>, vector<128x4096xi32>
    %reduce_min3A_52 = arith.constant dense<2147483647> : vector<128xi32>
    %reduce_min3A_53 = vector.multi_reduction <minsi>, %select_n3A_51, %reduce_min3A_52 [1] : vector<128x4096xi32> to vector<128xi32>
    %broadcast_in_dim3A_54 = vector.shape_cast %reduce_min3A_53 : vector<128xi32> to vector<128x1xi32>
    %eq3A_55 = vector.broadcast %broadcast_in_dim3A_54 : vector<128x1xi32> to vector<128x4096xi32>
    %eq3A_56 = arith.cmpi eq, %iota3A, %eq3A_55 : vector<128x4096xi32>
    %jit3A_57 = arith.constant -3.000000e+00 : f32
    %broadcast_in_dim3A_58 = vector.broadcast %jit3A_57 : f32 to vector<128x4096xf32>
    %select_n3A_59 = arith.select %eq3A_56, %broadcast_in_dim3A_58, %select_n3A_43 : vector<128x4096xi1>, vector<128x4096xf32>
    %reduce_max3A_60 = arith.constant dense<0xFF800000> : vector<128xf32>
    %reduce_max3A_61 = vector.multi_reduction <maximumf>, %select_n3A_59, %reduce_max3A_60 [1] : vector<128x4096xf32> to vector<128xf32>
    %broadcast_in_dim3A_62 = vector.shape_cast %reduce_max3A_61 : vector<128xf32> to vector<128x1xf32>
    %eq3A_63 = vector.broadcast %broadcast_in_dim3A_62 : vector<128x1xf32> to vector<128x4096xf32>
    %eq3A_64 = arith.cmpf oeq, %select_n3A_59, %eq3A_63 : vector<128x4096xf32>
    %jit3A_65 = arith.constant 4096 : i32
    %broadcast_in_dim3A_66 = vector.broadcast %jit3A_65 : i32 to vector<128x4096xi32>
    %select_n3A_67 = arith.select %eq3A_64, %iota3A, %broadcast_in_dim3A_66 : vector<128x4096xi1>, vector<128x4096xi32>
    %reduce_min3A_68 = arith.constant dense<2147483647> : vector<128xi32>
    %reduce_min3A_69 = vector.multi_reduction <minsi>, %select_n3A_67, %reduce_min3A_68 [1] : vector<128x4096xi32> to vector<128xi32>
    %broadcast_in_dim3A_70 = vector.shape_cast %reduce_min3A_69 : vector<128xi32> to vector<128x1xi32>
    %eq3A_71 = vector.broadcast %broadcast_in_dim3A_70 : vector<128x1xi32> to vector<128x4096xi32>
    %eq3A_72 = arith.cmpi eq, %iota3A, %eq3A_71 : vector<128x4096xi32>
    %jit3A_73 = arith.constant -3.000000e+00 : f32
    %broadcast_in_dim3A_74 = vector.broadcast %jit3A_73 : f32 to vector<128x4096xf32>
    %select_n3A_75 = arith.select %eq3A_72, %broadcast_in_dim3A_74, %select_n3A_59 : vector<128x4096xi1>, vector<128x4096xf32>
    %reduce_max3A_76 = arith.constant dense<0xFF800000> : vector<128xf32>
    %reduce_max3A_77 = vector.multi_reduction <maximumf>, %select_n3A_75, %reduce_max3A_76 [1] : vector<128x4096xf32> to vector<128xf32>
    %broadcast_in_dim3A_78 = vector.shape_cast %reduce_max3A_77 : vector<128xf32> to vector<128x1xf32>
    %eq3A_79 = vector.broadcast %broadcast_in_dim3A_78 : vector<128x1xf32> to vector<128x4096xf32>
    %eq3A_80 = arith.cmpf oeq, %select_n3A_75, %eq3A_79 : vector<128x4096xf32>
    %jit3A_81 = arith.constant 4096 : i32
    %broadcast_in_dim3A_82 = vector.broadcast %jit3A_81 : i32 to vector<128x4096xi32>
    %select_n3A_83 = arith.select %eq3A_80, %iota3A, %broadcast_in_dim3A_82 : vector<128x4096xi1>, vector<128x4096xi32>
    %reduce_min3A_84 = arith.constant dense<2147483647> : vector<128xi32>
    %reduce_min3A_85 = vector.multi_reduction <minsi>, %select_n3A_83, %reduce_min3A_84 [1] : vector<128x4096xi32> to vector<128xi32>
    %broadcast_in_dim3A_86 = vector.shape_cast %reduce_min3A_85 : vector<128xi32> to vector<128x1xi32>
    %eq3A_87 = vector.broadcast %broadcast_in_dim3A_86 : vector<128x1xi32> to vector<128x4096xi32>
    %eq3A_88 = arith.cmpi eq, %iota3A, %eq3A_87 : vector<128x4096xi32>
    %jit3A_89 = arith.constant -3.000000e+00 : f32
    %broadcast_in_dim3A_90 = vector.broadcast %jit3A_89 : f32 to vector<128x4096xf32>
    %select_n3A_91 = arith.select %eq3A_88, %broadcast_in_dim3A_90, %select_n3A_75 : vector<128x4096xi1>, vector<128x4096xf32>
    %reduce_max3A_92 = arith.constant dense<0xFF800000> : vector<128xf32>
    %reduce_max3A_93 = vector.multi_reduction <maximumf>, %select_n3A_91, %reduce_max3A_92 [1] : vector<128x4096xf32> to vector<128xf32>
    %broadcast_in_dim3A_94 = vector.shape_cast %reduce_max3A_93 : vector<128xf32> to vector<128x1xf32>
    %eq3A_95 = vector.broadcast %broadcast_in_dim3A_94 : vector<128x1xf32> to vector<128x4096xf32>
    %eq3A_96 = arith.cmpf oeq, %select_n3A_91, %eq3A_95 : vector<128x4096xf32>
    %jit3A_97 = arith.constant 4096 : i32
    %broadcast_in_dim3A_98 = vector.broadcast %jit3A_97 : i32 to vector<128x4096xi32>
    %select_n3A_99 = arith.select %eq3A_96, %iota3A, %broadcast_in_dim3A_98 : vector<128x4096xi1>, vector<128x4096xi32>
    %reduce_min3A_100 = arith.constant dense<2147483647> : vector<128xi32>
    %reduce_min3A_101 = vector.multi_reduction <minsi>, %select_n3A_99, %reduce_min3A_100 [1] : vector<128x4096xi32> to vector<128xi32>
    %broadcast_in_dim3A_102 = vector.shape_cast %reduce_min3A_101 : vector<128xi32> to vector<128x1xi32>
    %eq3A_103 = vector.broadcast %broadcast_in_dim3A_102 : vector<128x1xi32> to vector<128x4096xi32>
    %eq3A_104 = arith.cmpi eq, %iota3A, %eq3A_103 : vector<128x4096xi32>
    %jit3A_105 = arith.constant -3.000000e+00 : f32
    %broadcast_in_dim3A_106 = vector.broadcast %jit3A_105 : f32 to vector<128x4096xf32>
    %select_n3A_107 = arith.select %eq3A_104, %broadcast_in_dim3A_106, %select_n3A_91 : vector<128x4096xi1>, vector<128x4096xf32>
    %reduce_max3A_108 = arith.constant dense<0xFF800000> : vector<128xf32>
    %reduce_max3A_109 = vector.multi_reduction <maximumf>, %select_n3A_107, %reduce_max3A_108 [1] : vector<128x4096xf32> to vector<128xf32>
    %broadcast_in_dim3A_110 = vector.shape_cast %reduce_max3A_109 : vector<128xf32> to vector<128x1xf32>
    %eq3A_111 = vector.broadcast %broadcast_in_dim3A_110 : vector<128x1xf32> to vector<128x4096xf32>
    %eq3A_112 = arith.cmpf oeq, %select_n3A_107, %eq3A_111 : vector<128x4096xf32>
    %jit3A_113 = arith.constant 4096 : i32
    %broadcast_in_dim3A_114 = vector.broadcast %jit3A_113 : i32 to vector<128x4096xi32>
    %select_n3A_115 = arith.select %eq3A_112, %iota3A, %broadcast_in_dim3A_114 : vector<128x4096xi1>, vector<128x4096xi32>
    %reduce_min3A_116 = arith.constant dense<2147483647> : vector<128xi32>
    %reduce_min3A_117 = vector.multi_reduction <minsi>, %select_n3A_115, %reduce_min3A_116 [1] : vector<128x4096xi32> to vector<128xi32>
    %broadcast_in_dim3A_118 = vector.shape_cast %reduce_min3A_117 : vector<128xi32> to vector<128x1xi32>
    %eq3A_119 = vector.broadcast %broadcast_in_dim3A_118 : vector<128x1xi32> to vector<128x4096xi32>
    %eq3A_120 = arith.cmpi eq, %iota3A, %eq3A_119 : vector<128x4096xi32>
    %jit3A_121 = arith.constant -3.000000e+00 : f32
    %broadcast_in_dim3A_122 = vector.broadcast %jit3A_121 : f32 to vector<128x4096xf32>
    %select_n3A_123 = arith.select %eq3A_120, %broadcast_in_dim3A_122, %select_n3A_107 : vector<128x4096xi1>, vector<128x4096xf32>
    %reduce_max3A_124 = arith.constant dense<0xFF800000> : vector<128xf32>
    %reduce_max3A_125 = vector.multi_reduction <maximumf>, %select_n3A_123, %reduce_max3A_124 [1] : vector<128x4096xf32> to vector<128xf32>
    %broadcast_in_dim3A_126 = vector.shape_cast %reduce_max3A_125 : vector<128xf32> to vector<128x1xf32>
    %eq3A_127 = vector.broadcast %broadcast_in_dim3A_126 : vector<128x1xf32> to vector<128x4096xf32>
    %eq3A_128 = arith.cmpf oeq, %select_n3A_123, %eq3A_127 : vector<128x4096xf32>
    %jit3A_129 = arith.constant 4096 : i32
    %broadcast_in_dim3A_130 = vector.broadcast %jit3A_129 : i32 to vector<128x4096xi32>
    %select_n3A_131 = arith.select %eq3A_128, %iota3A, %broadcast_in_dim3A_130 : vector<128x4096xi1>, vector<128x4096xi32>
    %reduce_min3A_132 = arith.constant dense<2147483647> : vector<128xi32>
    %reduce_min3A_133 = vector.multi_reduction <minsi>, %select_n3A_131, %reduce_min3A_132 [1] : vector<128x4096xi32> to vector<128xi32>
    %broadcast_in_dim3A_134 = vector.shape_cast %reduce_min3A_133 : vector<128xi32> to vector<128x1xi32>
    %eq3A_135 = vector.broadcast %broadcast_in_dim3A_134 : vector<128x1xi32> to vector<128x4096xi32>
    %eq3A_136 = arith.cmpi eq, %iota3A, %eq3A_135 : vector<128x4096xi32>
    %jit3A_137 = arith.constant -3.000000e+00 : f32
    %broadcast_in_dim3A_138 = vector.broadcast %jit3A_137 : f32 to vector<128x4096xf32>
    %select_n3A_139 = arith.select %eq3A_136, %broadcast_in_dim3A_138, %select_n3A_123 : vector<128x4096xi1>, vector<128x4096xf32>
    %reduce_max3A_140 = arith.constant dense<0xFF800000> : vector<128xf32>
    %reduce_max3A_141 = vector.multi_reduction <maximumf>, %select_n3A_139, %reduce_max3A_140 [1] : vector<128x4096xf32> to vector<128xf32>
    %broadcast_in_dim3A_142 = vector.shape_cast %reduce_max3A_141 : vector<128xf32> to vector<128x1xf32>
    %eq3A_143 = vector.broadcast %broadcast_in_dim3A_142 : vector<128x1xf32> to vector<128x4096xf32>
    %eq3A_144 = arith.cmpf oeq, %select_n3A_139, %eq3A_143 : vector<128x4096xf32>
    %jit3A_145 = arith.constant 4096 : i32
    %broadcast_in_dim3A_146 = vector.broadcast %jit3A_145 : i32 to vector<128x4096xi32>
    %select_n3A_147 = arith.select %eq3A_144, %iota3A, %broadcast_in_dim3A_146 : vector<128x4096xi1>, vector<128x4096xi32>
    %reduce_min3A_148 = arith.constant dense<2147483647> : vector<128xi32>
    %reduce_min3A_149 = vector.multi_reduction <minsi>, %select_n3A_147, %reduce_min3A_148 [1] : vector<128x4096xi32> to vector<128xi32>
    %broadcast_in_dim3A_150 = vector.shape_cast %reduce_min3A_149 : vector<128xi32> to vector<128x1xi32>
    %eq3A_151 = vector.broadcast %broadcast_in_dim3A_150 : vector<128x1xi32> to vector<128x4096xi32>
    %eq3A_152 = arith.cmpi eq, %iota3A, %eq3A_151 : vector<128x4096xi32>
    %jit3A_153 = arith.constant -3.000000e+00 : f32
    %broadcast_in_dim3A_154 = vector.broadcast %jit3A_153 : f32 to vector<128x4096xf32>
    %select_n3A_155 = arith.select %eq3A_152, %broadcast_in_dim3A_154, %select_n3A_139 : vector<128x4096xi1>, vector<128x4096xf32>
    %reduce_max3A_156 = arith.constant dense<0xFF800000> : vector<128xf32>
    %reduce_max3A_157 = vector.multi_reduction <maximumf>, %select_n3A_155, %reduce_max3A_156 [1] : vector<128x4096xf32> to vector<128xf32>
    %broadcast_in_dim3A_158 = vector.shape_cast %reduce_max3A_157 : vector<128xf32> to vector<128x1xf32>
    %eq3A_159 = vector.broadcast %broadcast_in_dim3A_158 : vector<128x1xf32> to vector<128x4096xf32>
    %eq3A_160 = arith.cmpf oeq, %select_n3A_155, %eq3A_159 : vector<128x4096xf32>
    %jit3A_161 = arith.constant 4096 : i32
    %broadcast_in_dim3A_162 = vector.broadcast %jit3A_161 : i32 to vector<128x4096xi32>
    %select_n3A_163 = arith.select %eq3A_160, %iota3A, %broadcast_in_dim3A_162 : vector<128x4096xi1>, vector<128x4096xi32>
    %reduce_min3A_164 = arith.constant dense<2147483647> : vector<128xi32>
    %reduce_min3A_165 = vector.multi_reduction <minsi>, %select_n3A_163, %reduce_min3A_164 [1] : vector<128x4096xi32> to vector<128xi32>
    %broadcast_in_dim3A_166 = vector.shape_cast %reduce_min3A_165 : vector<128xi32> to vector<128x1xi32>
    %eq3A_167 = vector.broadcast %broadcast_in_dim3A_166 : vector<128x1xi32> to vector<128x4096xi32>
    %eq3A_168 = arith.cmpi eq, %iota3A, %eq3A_167 : vector<128x4096xi32>
    %jit3A_169 = arith.constant -3.000000e+00 : f32
    %broadcast_in_dim3A_170 = vector.broadcast %jit3A_169 : f32 to vector<128x4096xf32>
    %select_n3A_171 = arith.select %eq3A_168, %broadcast_in_dim3A_170, %select_n3A_155 : vector<128x4096xi1>, vector<128x4096xf32>
    %reduce_max3A_172 = arith.constant dense<0xFF800000> : vector<128xf32>
    %reduce_max3A_173 = vector.multi_reduction <maximumf>, %select_n3A_171, %reduce_max3A_172 [1] : vector<128x4096xf32> to vector<128xf32>
    %broadcast_in_dim3A_174 = vector.shape_cast %reduce_max3A_173 : vector<128xf32> to vector<128x1xf32>
    %eq3A_175 = vector.broadcast %broadcast_in_dim3A_174 : vector<128x1xf32> to vector<128x4096xf32>
    %eq3A_176 = arith.cmpf oeq, %select_n3A_171, %eq3A_175 : vector<128x4096xf32>
    %jit3A_177 = arith.constant 4096 : i32
    %broadcast_in_dim3A_178 = vector.broadcast %jit3A_177 : i32 to vector<128x4096xi32>
    %select_n3A_179 = arith.select %eq3A_176, %iota3A, %broadcast_in_dim3A_178 : vector<128x4096xi1>, vector<128x4096xi32>
    %reduce_min3A_180 = arith.constant dense<2147483647> : vector<128xi32>
    %reduce_min3A_181 = vector.multi_reduction <minsi>, %select_n3A_179, %reduce_min3A_180 [1] : vector<128x4096xi32> to vector<128xi32>
    %broadcast_in_dim3A_182 = vector.shape_cast %reduce_min3A_181 : vector<128xi32> to vector<128x1xi32>
    %eq3A_183 = vector.broadcast %broadcast_in_dim3A_182 : vector<128x1xi32> to vector<128x4096xi32>
    %eq3A_184 = arith.cmpi eq, %iota3A, %eq3A_183 : vector<128x4096xi32>
    %jit3A_185 = arith.constant -3.000000e+00 : f32
    %broadcast_in_dim3A_186 = vector.broadcast %jit3A_185 : f32 to vector<128x4096xf32>
    %select_n3A_187 = arith.select %eq3A_184, %broadcast_in_dim3A_186, %select_n3A_171 : vector<128x4096xi1>, vector<128x4096xf32>
    %reduce_max3A_188 = arith.constant dense<0xFF800000> : vector<128xf32>
    %reduce_max3A_189 = vector.multi_reduction <maximumf>, %select_n3A_187, %reduce_max3A_188 [1] : vector<128x4096xf32> to vector<128xf32>
    %broadcast_in_dim3A_190 = vector.shape_cast %reduce_max3A_189 : vector<128xf32> to vector<128x1xf32>
    %eq3A_191 = vector.broadcast %broadcast_in_dim3A_190 : vector<128x1xf32> to vector<128x4096xf32>
    %eq3A_192 = arith.cmpf oeq, %select_n3A_187, %eq3A_191 : vector<128x4096xf32>
    %jit3A_193 = arith.constant 4096 : i32
    %broadcast_in_dim3A_194 = vector.broadcast %jit3A_193 : i32 to vector<128x4096xi32>
    %select_n3A_195 = arith.select %eq3A_192, %iota3A, %broadcast_in_dim3A_194 : vector<128x4096xi1>, vector<128x4096xi32>
    %reduce_min3A_196 = arith.constant dense<2147483647> : vector<128xi32>
    %reduce_min3A_197 = vector.multi_reduction <minsi>, %select_n3A_195, %reduce_min3A_196 [1] : vector<128x4096xi32> to vector<128xi32>
    %broadcast_in_dim3A_198 = vector.shape_cast %reduce_min3A_197 : vector<128xi32> to vector<128x1xi32>
    %eq3A_199 = vector.broadcast %broadcast_in_dim3A_198 : vector<128x1xi32> to vector<128x4096xi32>
    %eq3A_200 = arith.cmpi eq, %iota3A, %eq3A_199 : vector<128x4096xi32>
    %jit3A_201 = arith.constant -3.000000e+00 : f32
    %broadcast_in_dim3A_202 = vector.broadcast %jit3A_201 : f32 to vector<128x4096xf32>
    %select_n3A_203 = arith.select %eq3A_200, %broadcast_in_dim3A_202, %select_n3A_187 : vector<128x4096xi1>, vector<128x4096xf32>
    %reduce_max3A_204 = arith.constant dense<0xFF800000> : vector<128xf32>
    %reduce_max3A_205 = vector.multi_reduction <maximumf>, %select_n3A_203, %reduce_max3A_204 [1] : vector<128x4096xf32> to vector<128xf32>
    %broadcast_in_dim3A_206 = vector.shape_cast %reduce_max3A_205 : vector<128xf32> to vector<128x1xf32>
    %eq3A_207 = vector.broadcast %broadcast_in_dim3A_206 : vector<128x1xf32> to vector<128x4096xf32>
    %eq3A_208 = arith.cmpf oeq, %select_n3A_203, %eq3A_207 : vector<128x4096xf32>
    %jit3A_209 = arith.constant 4096 : i32
    %broadcast_in_dim3A_210 = vector.broadcast %jit3A_209 : i32 to vector<128x4096xi32>
    %select_n3A_211 = arith.select %eq3A_208, %iota3A, %broadcast_in_dim3A_210 : vector<128x4096xi1>, vector<128x4096xi32>
    %reduce_min3A_212 = arith.constant dense<2147483647> : vector<128xi32>
    %reduce_min3A_213 = vector.multi_reduction <minsi>, %select_n3A_211, %reduce_min3A_212 [1] : vector<128x4096xi32> to vector<128xi32>
    %broadcast_in_dim3A_214 = vector.shape_cast %reduce_min3A_213 : vector<128xi32> to vector<128x1xi32>
    %eq3A_215 = vector.broadcast %broadcast_in_dim3A_214 : vector<128x1xi32> to vector<128x4096xi32>
    %eq3A_216 = arith.cmpi eq, %iota3A, %eq3A_215 : vector<128x4096xi32>
    %jit3A_217 = arith.constant -3.000000e+00 : f32
    %broadcast_in_dim3A_218 = vector.broadcast %jit3A_217 : f32 to vector<128x4096xf32>
    %select_n3A_219 = arith.select %eq3A_216, %broadcast_in_dim3A_218, %select_n3A_203 : vector<128x4096xi1>, vector<128x4096xf32>
    %reduce_max3A_220 = arith.constant dense<0xFF800000> : vector<128xf32>
    %reduce_max3A_221 = vector.multi_reduction <maximumf>, %select_n3A_219, %reduce_max3A_220 [1] : vector<128x4096xf32> to vector<128xf32>
    %broadcast_in_dim3A_222 = vector.shape_cast %reduce_max3A_221 : vector<128xf32> to vector<128x1xf32>
    %eq3A_223 = vector.broadcast %broadcast_in_dim3A_222 : vector<128x1xf32> to vector<128x4096xf32>
    %eq3A_224 = arith.cmpf oeq, %select_n3A_219, %eq3A_223 : vector<128x4096xf32>
    %jit3A_225 = arith.constant 4096 : i32
    %broadcast_in_dim3A_226 = vector.broadcast %jit3A_225 : i32 to vector<128x4096xi32>
    %select_n3A_227 = arith.select %eq3A_224, %iota3A, %broadcast_in_dim3A_226 : vector<128x4096xi1>, vector<128x4096xi32>
    %reduce_min3A_228 = arith.constant dense<2147483647> : vector<128xi32>
    %reduce_min3A_229 = vector.multi_reduction <minsi>, %select_n3A_227, %reduce_min3A_228 [1] : vector<128x4096xi32> to vector<128xi32>
    %broadcast_in_dim3A_230 = vector.shape_cast %reduce_min3A_229 : vector<128xi32> to vector<128x1xi32>
    %eq3A_231 = vector.broadcast %broadcast_in_dim3A_230 : vector<128x1xi32> to vector<128x4096xi32>
    %eq3A_232 = arith.cmpi eq, %iota3A, %eq3A_231 : vector<128x4096xi32>
    %jit3A_233 = arith.constant -3.000000e+00 : f32
    %broadcast_in_dim3A_234 = vector.broadcast %jit3A_233 : f32 to vector<128x4096xf32>
    %select_n3A_235 = arith.select %eq3A_232, %broadcast_in_dim3A_234, %select_n3A_219 : vector<128x4096xi1>, vector<128x4096xf32>
    %reduce_max3A_236 = arith.constant dense<0xFF800000> : vector<128xf32>
    %reduce_max3A_237 = vector.multi_reduction <maximumf>, %select_n3A_235, %reduce_max3A_236 [1] : vector<128x4096xf32> to vector<128xf32>
    %broadcast_in_dim3A_238 = vector.shape_cast %reduce_max3A_237 : vector<128xf32> to vector<128x1xf32>
    %eq3A_239 = vector.broadcast %broadcast_in_dim3A_238 : vector<128x1xf32> to vector<128x4096xf32>
    %eq3A_240 = arith.cmpf oeq, %select_n3A_235, %eq3A_239 : vector<128x4096xf32>
    %jit3A_241 = arith.constant 4096 : i32
    %broadcast_in_dim3A_242 = vector.broadcast %jit3A_241 : i32 to vector<128x4096xi32>
    %select_n3A_243 = arith.select %eq3A_240, %iota3A, %broadcast_in_dim3A_242 : vector<128x4096xi1>, vector<128x4096xi32>
    %reduce_min3A_244 = arith.constant dense<2147483647> : vector<128xi32>
    %reduce_min3A_245 = vector.multi_reduction <minsi>, %select_n3A_243, %reduce_min3A_244 [1] : vector<128x4096xi32> to vector<128xi32>
    %broadcast_in_dim3A_246 = vector.shape_cast %reduce_min3A_245 : vector<128xi32> to vector<128x1xi32>
    %eq3A_247 = vector.broadcast %broadcast_in_dim3A_246 : vector<128x1xi32> to vector<128x4096xi32>
    %eq3A_248 = arith.cmpi eq, %iota3A, %eq3A_247 : vector<128x4096xi32>
    %jit3A_249 = arith.constant -3.000000e+00 : f32
    %broadcast_in_dim3A_250 = vector.broadcast %jit3A_249 : f32 to vector<128x4096xf32>
    %select_n3A_251 = arith.select %eq3A_248, %broadcast_in_dim3A_250, %select_n3A_235 : vector<128x4096xi1>, vector<128x4096xf32>
    %reduce_max3A_252 = arith.constant dense<0xFF800000> : vector<128xf32>
    %reduce_max3A_253 = vector.multi_reduction <maximumf>, %select_n3A_251, %reduce_max3A_252 [1] : vector<128x4096xf32> to vector<128xf32>
    %broadcast_in_dim3A_254 = vector.shape_cast %reduce_max3A_253 : vector<128xf32> to vector<128x1xf32>
    %eq3A_255 = vector.broadcast %broadcast_in_dim3A_254 : vector<128x1xf32> to vector<128x4096xf32>
    %eq3A_256 = arith.cmpf oeq, %select_n3A_251, %eq3A_255 : vector<128x4096xf32>
    %jit3A_257 = arith.constant 4096 : i32
    %broadcast_in_dim3A_258 = vector.broadcast %jit3A_257 : i32 to vector<128x4096xi32>
    %select_n3A_259 = arith.select %eq3A_256, %iota3A, %broadcast_in_dim3A_258 : vector<128x4096xi1>, vector<128x4096xi32>
    %reduce_min3A_260 = arith.constant dense<2147483647> : vector<128xi32>
    %reduce_min3A_261 = vector.multi_reduction <minsi>, %select_n3A_259, %reduce_min3A_260 [1] : vector<128x4096xi32> to vector<128xi32>
    %broadcast_in_dim3A_262 = vector.shape_cast %reduce_min3A_261 : vector<128xi32> to vector<128x1xi32>
    %eq3A_263 = vector.broadcast %broadcast_in_dim3A_262 : vector<128x1xi32> to vector<128x4096xi32>
    %eq3A_264 = arith.cmpi eq, %iota3A, %eq3A_263 : vector<128x4096xi32>
    %jit3A_265 = arith.constant -3.000000e+00 : f32
    %broadcast_in_dim3A_266 = vector.broadcast %jit3A_265 : f32 to vector<128x4096xf32>
    %select_n3A_267 = arith.select %eq3A_264, %broadcast_in_dim3A_266, %select_n3A_251 : vector<128x4096xi1>, vector<128x4096xf32>
    %reduce_max3A_268 = arith.constant dense<0xFF800000> : vector<128xf32>
    %reduce_max3A_269 = vector.multi_reduction <maximumf>, %select_n3A_267, %reduce_max3A_268 [1] : vector<128x4096xf32> to vector<128xf32>
    %broadcast_in_dim3A_270 = vector.shape_cast %reduce_max3A_269 : vector<128xf32> to vector<128x1xf32>
    %eq3A_271 = vector.broadcast %broadcast_in_dim3A_270 : vector<128x1xf32> to vector<128x4096xf32>
    %eq3A_272 = arith.cmpf oeq, %select_n3A_267, %eq3A_271 : vector<128x4096xf32>
    %jit3A_273 = arith.constant 4096 : i32
    %broadcast_in_dim3A_274 = vector.broadcast %jit3A_273 : i32 to vector<128x4096xi32>
    %select_n3A_275 = arith.select %eq3A_272, %iota3A, %broadcast_in_dim3A_274 : vector<128x4096xi1>, vector<128x4096xi32>
    %reduce_min3A_276 = arith.constant dense<2147483647> : vector<128xi32>
    %reduce_min3A_277 = vector.multi_reduction <minsi>, %select_n3A_275, %reduce_min3A_276 [1] : vector<128x4096xi32> to vector<128xi32>
    %broadcast_in_dim3A_278 = vector.shape_cast %reduce_min3A_277 : vector<128xi32> to vector<128x1xi32>
    %eq3A_279 = vector.broadcast %broadcast_in_dim3A_278 : vector<128x1xi32> to vector<128x4096xi32>
    %eq3A_280 = arith.cmpi eq, %iota3A, %eq3A_279 : vector<128x4096xi32>
    %jit3A_281 = arith.constant -3.000000e+00 : f32
    %broadcast_in_dim3A_282 = vector.broadcast %jit3A_281 : f32 to vector<128x4096xf32>
    %select_n3A_283 = arith.select %eq3A_280, %broadcast_in_dim3A_282, %select_n3A_267 : vector<128x4096xi1>, vector<128x4096xf32>
    %reduce_max3A_284 = arith.constant dense<0xFF800000> : vector<128xf32>
    %reduce_max3A_285 = vector.multi_reduction <maximumf>, %select_n3A_283, %reduce_max3A_284 [1] : vector<128x4096xf32> to vector<128xf32>
    %broadcast_in_dim3A_286 = vector.shape_cast %reduce_max3A_285 : vector<128xf32> to vector<128x1xf32>
    %eq3A_287 = vector.broadcast %broadcast_in_dim3A_286 : vector<128x1xf32> to vector<128x4096xf32>
    %eq3A_288 = arith.cmpf oeq, %select_n3A_283, %eq3A_287 : vector<128x4096xf32>
    %jit3A_289 = arith.constant 4096 : i32
    %broadcast_in_dim3A_290 = vector.broadcast %jit3A_289 : i32 to vector<128x4096xi32>
    %select_n3A_291 = arith.select %eq3A_288, %iota3A, %broadcast_in_dim3A_290 : vector<128x4096xi1>, vector<128x4096xi32>
    %reduce_min3A_292 = arith.constant dense<2147483647> : vector<128xi32>
    %reduce_min3A_293 = vector.multi_reduction <minsi>, %select_n3A_291, %reduce_min3A_292 [1] : vector<128x4096xi32> to vector<128xi32>
    %broadcast_in_dim3A_294 = vector.shape_cast %reduce_min3A_293 : vector<128xi32> to vector<128x1xi32>
    %eq3A_295 = vector.broadcast %broadcast_in_dim3A_294 : vector<128x1xi32> to vector<128x4096xi32>
    %eq3A_296 = arith.cmpi eq, %iota3A, %eq3A_295 : vector<128x4096xi32>
    %jit3A_297 = arith.constant -3.000000e+00 : f32
    %broadcast_in_dim3A_298 = vector.broadcast %jit3A_297 : f32 to vector<128x4096xf32>
    %select_n3A_299 = arith.select %eq3A_296, %broadcast_in_dim3A_298, %select_n3A_283 : vector<128x4096xi1>, vector<128x4096xf32>
    %reduce_max3A_300 = arith.constant dense<0xFF800000> : vector<128xf32>
    %reduce_max3A_301 = vector.multi_reduction <maximumf>, %select_n3A_299, %reduce_max3A_300 [1] : vector<128x4096xf32> to vector<128xf32>
    %broadcast_in_dim3A_302 = vector.shape_cast %reduce_max3A_301 : vector<128xf32> to vector<128x1xf32>
    %eq3A_303 = vector.broadcast %broadcast_in_dim3A_302 : vector<128x1xf32> to vector<128x4096xf32>
    %eq3A_304 = arith.cmpf oeq, %select_n3A_299, %eq3A_303 : vector<128x4096xf32>
    %jit3A_305 = arith.constant 4096 : i32
    %broadcast_in_dim3A_306 = vector.broadcast %jit3A_305 : i32 to vector<128x4096xi32>
    %select_n3A_307 = arith.select %eq3A_304, %iota3A, %broadcast_in_dim3A_306 : vector<128x4096xi1>, vector<128x4096xi32>
    %reduce_min3A_308 = arith.constant dense<2147483647> : vector<128xi32>
    %reduce_min3A_309 = vector.multi_reduction <minsi>, %select_n3A_307, %reduce_min3A_308 [1] : vector<128x4096xi32> to vector<128xi32>
    %broadcast_in_dim3A_310 = vector.shape_cast %reduce_min3A_309 : vector<128xi32> to vector<128x1xi32>
    %eq3A_311 = vector.broadcast %broadcast_in_dim3A_310 : vector<128x1xi32> to vector<128x4096xi32>
    %eq3A_312 = arith.cmpi eq, %iota3A, %eq3A_311 : vector<128x4096xi32>
    %jit3A_313 = arith.constant -3.000000e+00 : f32
    %broadcast_in_dim3A_314 = vector.broadcast %jit3A_313 : f32 to vector<128x4096xf32>
    %select_n3A_315 = arith.select %eq3A_312, %broadcast_in_dim3A_314, %select_n3A_299 : vector<128x4096xi1>, vector<128x4096xf32>
    %reduce_max3A_316 = arith.constant dense<0xFF800000> : vector<128xf32>
    %reduce_max3A_317 = vector.multi_reduction <maximumf>, %select_n3A_315, %reduce_max3A_316 [1] : vector<128x4096xf32> to vector<128xf32>
    %broadcast_in_dim3A_318 = vector.shape_cast %reduce_max3A_317 : vector<128xf32> to vector<128x1xf32>
    %eq3A_319 = vector.broadcast %broadcast_in_dim3A_318 : vector<128x1xf32> to vector<128x4096xf32>
    %eq3A_320 = arith.cmpf oeq, %select_n3A_315, %eq3A_319 : vector<128x4096xf32>
    %jit3A_321 = arith.constant 4096 : i32
    %broadcast_in_dim3A_322 = vector.broadcast %jit3A_321 : i32 to vector<128x4096xi32>
    %select_n3A_323 = arith.select %eq3A_320, %iota3A, %broadcast_in_dim3A_322 : vector<128x4096xi1>, vector<128x4096xi32>
    %reduce_min3A_324 = arith.constant dense<2147483647> : vector<128xi32>
    %reduce_min3A_325 = vector.multi_reduction <minsi>, %select_n3A_323, %reduce_min3A_324 [1] : vector<128x4096xi32> to vector<128xi32>
    %broadcast_in_dim3A_326 = vector.shape_cast %reduce_min3A_325 : vector<128xi32> to vector<128x1xi32>
    %eq3A_327 = vector.broadcast %broadcast_in_dim3A_326 : vector<128x1xi32> to vector<128x4096xi32>
    %eq3A_328 = arith.cmpi eq, %iota3A, %eq3A_327 : vector<128x4096xi32>
    %jit3A_329 = arith.constant -3.000000e+00 : f32
    %broadcast_in_dim3A_330 = vector.broadcast %jit3A_329 : f32 to vector<128x4096xf32>
    %select_n3A_331 = arith.select %eq3A_328, %broadcast_in_dim3A_330, %select_n3A_315 : vector<128x4096xi1>, vector<128x4096xf32>
    %reduce_max3A_332 = arith.constant dense<0xFF800000> : vector<128xf32>
    %reduce_max3A_333 = vector.multi_reduction <maximumf>, %select_n3A_331, %reduce_max3A_332 [1] : vector<128x4096xf32> to vector<128xf32>
    %broadcast_in_dim3A_334 = vector.shape_cast %reduce_max3A_333 : vector<128xf32> to vector<128x1xf32>
    %eq3A_335 = vector.broadcast %broadcast_in_dim3A_334 : vector<128x1xf32> to vector<128x4096xf32>
    %eq3A_336 = arith.cmpf oeq, %select_n3A_331, %eq3A_335 : vector<128x4096xf32>
    %jit3A_337 = arith.constant 4096 : i32
    %broadcast_in_dim3A_338 = vector.broadcast %jit3A_337 : i32 to vector<128x4096xi32>
    %select_n3A_339 = arith.select %eq3A_336, %iota3A, %broadcast_in_dim3A_338 : vector<128x4096xi1>, vector<128x4096xi32>
    %reduce_min3A_340 = arith.constant dense<2147483647> : vector<128xi32>
    %reduce_min3A_341 = vector.multi_reduction <minsi>, %select_n3A_339, %reduce_min3A_340 [1] : vector<128x4096xi32> to vector<128xi32>
    %broadcast_in_dim3A_342 = vector.shape_cast %reduce_min3A_341 : vector<128xi32> to vector<128x1xi32>
    %eq3A_343 = vector.broadcast %broadcast_in_dim3A_342 : vector<128x1xi32> to vector<128x4096xi32>
    %eq3A_344 = arith.cmpi eq, %iota3A, %eq3A_343 : vector<128x4096xi32>
    %jit3A_345 = arith.constant -3.000000e+00 : f32
    %broadcast_in_dim3A_346 = vector.broadcast %jit3A_345 : f32 to vector<128x4096xf32>
    %select_n3A_347 = arith.select %eq3A_344, %broadcast_in_dim3A_346, %select_n3A_331 : vector<128x4096xi1>, vector<128x4096xf32>
    %reduce_max3A_348 = arith.constant dense<0xFF800000> : vector<128xf32>
    %reduce_max3A_349 = vector.multi_reduction <maximumf>, %select_n3A_347, %reduce_max3A_348 [1] : vector<128x4096xf32> to vector<128xf32>
    %broadcast_in_dim3A_350 = vector.shape_cast %reduce_max3A_349 : vector<128xf32> to vector<128x1xf32>
    %eq3A_351 = vector.broadcast %broadcast_in_dim3A_350 : vector<128x1xf32> to vector<128x4096xf32>
    %eq3A_352 = arith.cmpf oeq, %select_n3A_347, %eq3A_351 : vector<128x4096xf32>
    %jit3A_353 = arith.constant 4096 : i32
    %broadcast_in_dim3A_354 = vector.broadcast %jit3A_353 : i32 to vector<128x4096xi32>
    %select_n3A_355 = arith.select %eq3A_352, %iota3A, %broadcast_in_dim3A_354 : vector<128x4096xi1>, vector<128x4096xi32>
    %reduce_min3A_356 = arith.constant dense<2147483647> : vector<128xi32>
    %reduce_min3A_357 = vector.multi_reduction <minsi>, %select_n3A_355, %reduce_min3A_356 [1] : vector<128x4096xi32> to vector<128xi32>
    %broadcast_in_dim3A_358 = vector.shape_cast %reduce_min3A_357 : vector<128xi32> to vector<128x1xi32>
    %eq3A_359 = vector.broadcast %broadcast_in_dim3A_358 : vector<128x1xi32> to vector<128x4096xi32>
    %eq3A_360 = arith.cmpi eq, %iota3A, %eq3A_359 : vector<128x4096xi32>
    %jit3A_361 = arith.constant -3.000000e+00 : f32
    %broadcast_in_dim3A_362 = vector.broadcast %jit3A_361 : f32 to vector<128x4096xf32>
    %select_n3A_363 = arith.select %eq3A_360, %broadcast_in_dim3A_362, %select_n3A_347 : vector<128x4096xi1>, vector<128x4096xf32>
    %reduce_max3A_364 = arith.constant dense<0xFF800000> : vector<128xf32>
    %reduce_max3A_365 = vector.multi_reduction <maximumf>, %select_n3A_363, %reduce_max3A_364 [1] : vector<128x4096xf32> to vector<128xf32>
    %broadcast_in_dim3A_366 = vector.shape_cast %reduce_max3A_365 : vector<128xf32> to vector<128x1xf32>
    %eq3A_367 = vector.broadcast %broadcast_in_dim3A_366 : vector<128x1xf32> to vector<128x4096xf32>
    %eq3A_368 = arith.cmpf oeq, %select_n3A_363, %eq3A_367 : vector<128x4096xf32>
    %jit3A_369 = arith.constant 4096 : i32
    %broadcast_in_dim3A_370 = vector.broadcast %jit3A_369 : i32 to vector<128x4096xi32>
    %select_n3A_371 = arith.select %eq3A_368, %iota3A, %broadcast_in_dim3A_370 : vector<128x4096xi1>, vector<128x4096xi32>
    %reduce_min3A_372 = arith.constant dense<2147483647> : vector<128xi32>
    %reduce_min3A_373 = vector.multi_reduction <minsi>, %select_n3A_371, %reduce_min3A_372 [1] : vector<128x4096xi32> to vector<128xi32>
    %broadcast_in_dim3A_374 = vector.shape_cast %reduce_min3A_373 : vector<128xi32> to vector<128x1xi32>
    %eq3A_375 = vector.broadcast %broadcast_in_dim3A_374 : vector<128x1xi32> to vector<128x4096xi32>
    %eq3A_376 = arith.cmpi eq, %iota3A, %eq3A_375 : vector<128x4096xi32>
    %jit3A_377 = arith.constant -3.000000e+00 : f32
    %broadcast_in_dim3A_378 = vector.broadcast %jit3A_377 : f32 to vector<128x4096xf32>
    %select_n3A_379 = arith.select %eq3A_376, %broadcast_in_dim3A_378, %select_n3A_363 : vector<128x4096xi1>, vector<128x4096xf32>
    %reduce_max3A_380 = arith.constant dense<0xFF800000> : vector<128xf32>
    %reduce_max3A_381 = vector.multi_reduction <maximumf>, %select_n3A_379, %reduce_max3A_380 [1] : vector<128x4096xf32> to vector<128xf32>
    %broadcast_in_dim3A_382 = vector.shape_cast %reduce_max3A_381 : vector<128xf32> to vector<128x1xf32>
    %eq3A_383 = vector.broadcast %broadcast_in_dim3A_382 : vector<128x1xf32> to vector<128x4096xf32>
    %eq3A_384 = arith.cmpf oeq, %select_n3A_379, %eq3A_383 : vector<128x4096xf32>
    %jit3A_385 = arith.constant 4096 : i32
    %broadcast_in_dim3A_386 = vector.broadcast %jit3A_385 : i32 to vector<128x4096xi32>
    %select_n3A_387 = arith.select %eq3A_384, %iota3A, %broadcast_in_dim3A_386 : vector<128x4096xi1>, vector<128x4096xi32>
    %reduce_min3A_388 = arith.constant dense<2147483647> : vector<128xi32>
    %reduce_min3A_389 = vector.multi_reduction <minsi>, %select_n3A_387, %reduce_min3A_388 [1] : vector<128x4096xi32> to vector<128xi32>
    %broadcast_in_dim3A_390 = vector.shape_cast %reduce_min3A_389 : vector<128xi32> to vector<128x1xi32>
    %eq3A_391 = vector.broadcast %broadcast_in_dim3A_390 : vector<128x1xi32> to vector<128x4096xi32>
    %eq3A_392 = arith.cmpi eq, %iota3A, %eq3A_391 : vector<128x4096xi32>
    %jit3A_393 = arith.constant -3.000000e+00 : f32
    %broadcast_in_dim3A_394 = vector.broadcast %jit3A_393 : f32 to vector<128x4096xf32>
    %select_n3A_395 = arith.select %eq3A_392, %broadcast_in_dim3A_394, %select_n3A_379 : vector<128x4096xi1>, vector<128x4096xf32>
    %reduce_max3A_396 = arith.constant dense<0xFF800000> : vector<128xf32>
    %reduce_max3A_397 = vector.multi_reduction <maximumf>, %select_n3A_395, %reduce_max3A_396 [1] : vector<128x4096xf32> to vector<128xf32>
    %broadcast_in_dim3A_398 = vector.shape_cast %reduce_max3A_397 : vector<128xf32> to vector<128x1xf32>
    %eq3A_399 = vector.broadcast %broadcast_in_dim3A_398 : vector<128x1xf32> to vector<128x4096xf32>
    %eq3A_400 = arith.cmpf oeq, %select_n3A_395, %eq3A_399 : vector<128x4096xf32>
    %jit3A_401 = arith.constant 4096 : i32
    %broadcast_in_dim3A_402 = vector.broadcast %jit3A_401 : i32 to vector<128x4096xi32>
    %select_n3A_403 = arith.select %eq3A_400, %iota3A, %broadcast_in_dim3A_402 : vector<128x4096xi1>, vector<128x4096xi32>
    %reduce_min3A_404 = arith.constant dense<2147483647> : vector<128xi32>
    %reduce_min3A_405 = vector.multi_reduction <minsi>, %select_n3A_403, %reduce_min3A_404 [1] : vector<128x4096xi32> to vector<128xi32>
    %broadcast_in_dim3A_406 = vector.shape_cast %reduce_min3A_405 : vector<128xi32> to vector<128x1xi32>
    %eq3A_407 = vector.broadcast %broadcast_in_dim3A_406 : vector<128x1xi32> to vector<128x4096xi32>
    %eq3A_408 = arith.cmpi eq, %iota3A, %eq3A_407 : vector<128x4096xi32>
    %jit3A_409 = arith.constant -3.000000e+00 : f32
    %broadcast_in_dim3A_410 = vector.broadcast %jit3A_409 : f32 to vector<128x4096xf32>
    %select_n3A_411 = arith.select %eq3A_408, %broadcast_in_dim3A_410, %select_n3A_395 : vector<128x4096xi1>, vector<128x4096xf32>
    %reduce_max3A_412 = arith.constant dense<0xFF800000> : vector<128xf32>
    %reduce_max3A_413 = vector.multi_reduction <maximumf>, %select_n3A_411, %reduce_max3A_412 [1] : vector<128x4096xf32> to vector<128xf32>
    %broadcast_in_dim3A_414 = vector.shape_cast %reduce_max3A_413 : vector<128xf32> to vector<128x1xf32>
    %eq3A_415 = vector.broadcast %broadcast_in_dim3A_414 : vector<128x1xf32> to vector<128x4096xf32>
    %eq3A_416 = arith.cmpf oeq, %select_n3A_411, %eq3A_415 : vector<128x4096xf32>
    %jit3A_417 = arith.constant 4096 : i32
    %broadcast_in_dim3A_418 = vector.broadcast %jit3A_417 : i32 to vector<128x4096xi32>
    %select_n3A_419 = arith.select %eq3A_416, %iota3A, %broadcast_in_dim3A_418 : vector<128x4096xi1>, vector<128x4096xi32>
    %reduce_min3A_420 = arith.constant dense<2147483647> : vector<128xi32>
    %reduce_min3A_421 = vector.multi_reduction <minsi>, %select_n3A_419, %reduce_min3A_420 [1] : vector<128x4096xi32> to vector<128xi32>
    %broadcast_in_dim3A_422 = vector.shape_cast %reduce_min3A_421 : vector<128xi32> to vector<128x1xi32>
    %eq3A_423 = vector.broadcast %broadcast_in_dim3A_422 : vector<128x1xi32> to vector<128x4096xi32>
    %eq3A_424 = arith.cmpi eq, %iota3A, %eq3A_423 : vector<128x4096xi32>
    %jit3A_425 = arith.constant -3.000000e+00 : f32
    %broadcast_in_dim3A_426 = vector.broadcast %jit3A_425 : f32 to vector<128x4096xf32>
    %select_n3A_427 = arith.select %eq3A_424, %broadcast_in_dim3A_426, %select_n3A_411 : vector<128x4096xi1>, vector<128x4096xf32>
    %reduce_max3A_428 = arith.constant dense<0xFF800000> : vector<128xf32>
    %reduce_max3A_429 = vector.multi_reduction <maximumf>, %select_n3A_427, %reduce_max3A_428 [1] : vector<128x4096xf32> to vector<128xf32>
    %broadcast_in_dim3A_430 = vector.shape_cast %reduce_max3A_429 : vector<128xf32> to vector<128x1xf32>
    %eq3A_431 = vector.broadcast %broadcast_in_dim3A_430 : vector<128x1xf32> to vector<128x4096xf32>
    %eq3A_432 = arith.cmpf oeq, %select_n3A_427, %eq3A_431 : vector<128x4096xf32>
    %jit3A_433 = arith.constant 4096 : i32
    %broadcast_in_dim3A_434 = vector.broadcast %jit3A_433 : i32 to vector<128x4096xi32>
    %select_n3A_435 = arith.select %eq3A_432, %iota3A, %broadcast_in_dim3A_434 : vector<128x4096xi1>, vector<128x4096xi32>
    %reduce_min3A_436 = arith.constant dense<2147483647> : vector<128xi32>
    %reduce_min3A_437 = vector.multi_reduction <minsi>, %select_n3A_435, %reduce_min3A_436 [1] : vector<128x4096xi32> to vector<128xi32>
    %broadcast_in_dim3A_438 = vector.shape_cast %reduce_min3A_437 : vector<128xi32> to vector<128x1xi32>
    %eq3A_439 = vector.broadcast %broadcast_in_dim3A_438 : vector<128x1xi32> to vector<128x4096xi32>
    %eq3A_440 = arith.cmpi eq, %iota3A, %eq3A_439 : vector<128x4096xi32>
    %jit3A_441 = arith.constant -3.000000e+00 : f32
    %broadcast_in_dim3A_442 = vector.broadcast %jit3A_441 : f32 to vector<128x4096xf32>
    %select_n3A_443 = arith.select %eq3A_440, %broadcast_in_dim3A_442, %select_n3A_427 : vector<128x4096xi1>, vector<128x4096xf32>
    %reduce_max3A_444 = arith.constant dense<0xFF800000> : vector<128xf32>
    %reduce_max3A_445 = vector.multi_reduction <maximumf>, %select_n3A_443, %reduce_max3A_444 [1] : vector<128x4096xf32> to vector<128xf32>
    %broadcast_in_dim3A_446 = vector.shape_cast %reduce_max3A_445 : vector<128xf32> to vector<128x1xf32>
    %eq3A_447 = vector.broadcast %broadcast_in_dim3A_446 : vector<128x1xf32> to vector<128x4096xf32>
    %eq3A_448 = arith.cmpf oeq, %select_n3A_443, %eq3A_447 : vector<128x4096xf32>
    %jit3A_449 = arith.constant 4096 : i32
    %broadcast_in_dim3A_450 = vector.broadcast %jit3A_449 : i32 to vector<128x4096xi32>
    %select_n3A_451 = arith.select %eq3A_448, %iota3A, %broadcast_in_dim3A_450 : vector<128x4096xi1>, vector<128x4096xi32>
    %reduce_min3A_452 = arith.constant dense<2147483647> : vector<128xi32>
    %reduce_min3A_453 = vector.multi_reduction <minsi>, %select_n3A_451, %reduce_min3A_452 [1] : vector<128x4096xi32> to vector<128xi32>
    %broadcast_in_dim3A_454 = vector.shape_cast %reduce_min3A_453 : vector<128xi32> to vector<128x1xi32>
    %eq3A_455 = vector.broadcast %broadcast_in_dim3A_454 : vector<128x1xi32> to vector<128x4096xi32>
    %eq3A_456 = arith.cmpi eq, %iota3A, %eq3A_455 : vector<128x4096xi32>
    %jit3A_457 = arith.constant -3.000000e+00 : f32
    %broadcast_in_dim3A_458 = vector.broadcast %jit3A_457 : f32 to vector<128x4096xf32>
    %select_n3A_459 = arith.select %eq3A_456, %broadcast_in_dim3A_458, %select_n3A_443 : vector<128x4096xi1>, vector<128x4096xf32>
    %reduce_max3A_460 = arith.constant dense<0xFF800000> : vector<128xf32>
    %reduce_max3A_461 = vector.multi_reduction <maximumf>, %select_n3A_459, %reduce_max3A_460 [1] : vector<128x4096xf32> to vector<128xf32>
    %broadcast_in_dim3A_462 = vector.shape_cast %reduce_max3A_461 : vector<128xf32> to vector<128x1xf32>
    %eq3A_463 = vector.broadcast %broadcast_in_dim3A_462 : vector<128x1xf32> to vector<128x4096xf32>
    %eq3A_464 = arith.cmpf oeq, %select_n3A_459, %eq3A_463 : vector<128x4096xf32>
    %jit3A_465 = arith.constant 4096 : i32
    %broadcast_in_dim3A_466 = vector.broadcast %jit3A_465 : i32 to vector<128x4096xi32>
    %select_n3A_467 = arith.select %eq3A_464, %iota3A, %broadcast_in_dim3A_466 : vector<128x4096xi1>, vector<128x4096xi32>
    %reduce_min3A_468 = arith.constant dense<2147483647> : vector<128xi32>
    %reduce_min3A_469 = vector.multi_reduction <minsi>, %select_n3A_467, %reduce_min3A_468 [1] : vector<128x4096xi32> to vector<128xi32>
    %broadcast_in_dim3A_470 = vector.shape_cast %reduce_min3A_469 : vector<128xi32> to vector<128x1xi32>
    %eq3A_471 = vector.broadcast %broadcast_in_dim3A_470 : vector<128x1xi32> to vector<128x4096xi32>
    %eq3A_472 = arith.cmpi eq, %iota3A, %eq3A_471 : vector<128x4096xi32>
    %jit3A_473 = arith.constant -3.000000e+00 : f32
    %broadcast_in_dim3A_474 = vector.broadcast %jit3A_473 : f32 to vector<128x4096xf32>
    %select_n3A_475 = arith.select %eq3A_472, %broadcast_in_dim3A_474, %select_n3A_459 : vector<128x4096xi1>, vector<128x4096xf32>
    %reduce_max3A_476 = arith.constant dense<0xFF800000> : vector<128xf32>
    %reduce_max3A_477 = vector.multi_reduction <maximumf>, %select_n3A_475, %reduce_max3A_476 [1] : vector<128x4096xf32> to vector<128xf32>
    %broadcast_in_dim3A_478 = vector.shape_cast %reduce_max3A_477 : vector<128xf32> to vector<128x1xf32>
    %eq3A_479 = vector.broadcast %broadcast_in_dim3A_478 : vector<128x1xf32> to vector<128x4096xf32>
    %eq3A_480 = arith.cmpf oeq, %select_n3A_475, %eq3A_479 : vector<128x4096xf32>
    %jit3A_481 = arith.constant 4096 : i32
    %broadcast_in_dim3A_482 = vector.broadcast %jit3A_481 : i32 to vector<128x4096xi32>
    %select_n3A_483 = arith.select %eq3A_480, %iota3A, %broadcast_in_dim3A_482 : vector<128x4096xi1>, vector<128x4096xi32>
    %reduce_min3A_484 = arith.constant dense<2147483647> : vector<128xi32>
    %reduce_min3A_485 = vector.multi_reduction <minsi>, %select_n3A_483, %reduce_min3A_484 [1] : vector<128x4096xi32> to vector<128xi32>
    %broadcast_in_dim3A_486 = vector.shape_cast %reduce_min3A_485 : vector<128xi32> to vector<128x1xi32>
    %eq3A_487 = vector.broadcast %broadcast_in_dim3A_486 : vector<128x1xi32> to vector<128x4096xi32>
    %eq3A_488 = arith.cmpi eq, %iota3A, %eq3A_487 : vector<128x4096xi32>
    %jit3A_489 = arith.constant -3.000000e+00 : f32
    %broadcast_in_dim3A_490 = vector.broadcast %jit3A_489 : f32 to vector<128x4096xf32>
    %select_n3A_491 = arith.select %eq3A_488, %broadcast_in_dim3A_490, %select_n3A_475 : vector<128x4096xi1>, vector<128x4096xf32>
    %reduce_max3A_492 = arith.constant dense<0xFF800000> : vector<128xf32>
    %reduce_max3A_493 = vector.multi_reduction <maximumf>, %select_n3A_491, %reduce_max3A_492 [1] : vector<128x4096xf32> to vector<128xf32>
    %broadcast_in_dim3A_494 = vector.shape_cast %reduce_max3A_493 : vector<128xf32> to vector<128x1xf32>
    %eq3A_495 = vector.broadcast %broadcast_in_dim3A_494 : vector<128x1xf32> to vector<128x4096xf32>
    %eq3A_496 = arith.cmpf oeq, %select_n3A_491, %eq3A_495 : vector<128x4096xf32>
    %jit3A_497 = arith.constant 4096 : i32
    %broadcast_in_dim3A_498 = vector.broadcast %jit3A_497 : i32 to vector<128x4096xi32>
    %select_n3A_499 = arith.select %eq3A_496, %iota3A, %broadcast_in_dim3A_498 : vector<128x4096xi1>, vector<128x4096xi32>
    %reduce_min3A_500 = arith.constant dense<2147483647> : vector<128xi32>
    %reduce_min3A_501 = vector.multi_reduction <minsi>, %select_n3A_499, %reduce_min3A_500 [1] : vector<128x4096xi32> to vector<128xi32>
    %broadcast_in_dim3A_502 = vector.shape_cast %reduce_min3A_501 : vector<128xi32> to vector<128x1xi32>
    %eq3A_503 = vector.broadcast %broadcast_in_dim3A_502 : vector<128x1xi32> to vector<128x4096xi32>
    %eq3A_504 = arith.cmpi eq, %iota3A, %eq3A_503 : vector<128x4096xi32>
    %jit3A_505 = arith.constant -3.000000e+00 : f32
    %broadcast_in_dim3A_506 = vector.broadcast %jit3A_505 : f32 to vector<128x4096xf32>
    %select_n3A_507 = arith.select %eq3A_504, %broadcast_in_dim3A_506, %select_n3A_491 : vector<128x4096xi1>, vector<128x4096xf32>
    %reduce_max3A_508 = arith.constant dense<0xFF800000> : vector<128xf32>
    %reduce_max3A_509 = vector.multi_reduction <maximumf>, %select_n3A_507, %reduce_max3A_508 [1] : vector<128x4096xf32> to vector<128xf32>
    %broadcast_in_dim3A_510 = vector.shape_cast %reduce_max3A_509 : vector<128xf32> to vector<128x1xf32>
    %eq3A_511 = vector.broadcast %broadcast_in_dim3A_510 : vector<128x1xf32> to vector<128x4096xf32>
    %eq3A_512 = arith.cmpf oeq, %select_n3A_507, %eq3A_511 : vector<128x4096xf32>
    %jit3A_513 = arith.constant 4096 : i32
    %broadcast_in_dim3A_514 = vector.broadcast %jit3A_513 : i32 to vector<128x4096xi32>
    %select_n3A_515 = arith.select %eq3A_512, %iota3A, %broadcast_in_dim3A_514 : vector<128x4096xi1>, vector<128x4096xi32>
    %reduce_min3A_516 = arith.constant dense<2147483647> : vector<128xi32>
    %reduce_min3A_517 = vector.multi_reduction <minsi>, %select_n3A_515, %reduce_min3A_516 [1] : vector<128x4096xi32> to vector<128xi32>
    %broadcast_in_dim3A_518 = vector.shape_cast %reduce_min3A_517 : vector<128xi32> to vector<128x1xi32>
    %eq3A_519 = vector.broadcast %broadcast_in_dim3A_518 : vector<128x1xi32> to vector<128x4096xi32>
    %eq3A_520 = arith.cmpi eq, %iota3A, %eq3A_519 : vector<128x4096xi32>
    %jit3A_521 = arith.constant -3.000000e+00 : f32
    %broadcast_in_dim3A_522 = vector.broadcast %jit3A_521 : f32 to vector<128x4096xf32>
    %select_n3A_523 = arith.select %eq3A_520, %broadcast_in_dim3A_522, %select_n3A_507 : vector<128x4096xi1>, vector<128x4096xf32>
    %reduce_max3A_524 = arith.constant dense<0xFF800000> : vector<128xf32>
    %reduce_max3A_525 = vector.multi_reduction <maximumf>, %select_n3A_523, %reduce_max3A_524 [1] : vector<128x4096xf32> to vector<128xf32>
    %broadcast_in_dim3A_526 = vector.shape_cast %reduce_max3A_525 : vector<128xf32> to vector<128x1xf32>
    %eq3A_527 = vector.broadcast %broadcast_in_dim3A_526 : vector<128x1xf32> to vector<128x4096xf32>
    %eq3A_528 = arith.cmpf oeq, %select_n3A_523, %eq3A_527 : vector<128x4096xf32>
    %jit3A_529 = arith.constant 4096 : i32
    %broadcast_in_dim3A_530 = vector.broadcast %jit3A_529 : i32 to vector<128x4096xi32>
    %select_n3A_531 = arith.select %eq3A_528, %iota3A, %broadcast_in_dim3A_530 : vector<128x4096xi1>, vector<128x4096xi32>
    %reduce_min3A_532 = arith.constant dense<2147483647> : vector<128xi32>
    %reduce_min3A_533 = vector.multi_reduction <minsi>, %select_n3A_531, %reduce_min3A_532 [1] : vector<128x4096xi32> to vector<128xi32>
    %broadcast_in_dim3A_534 = vector.shape_cast %reduce_min3A_533 : vector<128xi32> to vector<128x1xi32>
    %eq3A_535 = vector.broadcast %broadcast_in_dim3A_534 : vector<128x1xi32> to vector<128x4096xi32>
    %eq3A_536 = arith.cmpi eq, %iota3A, %eq3A_535 : vector<128x4096xi32>
    %jit3A_537 = arith.constant -3.000000e+00 : f32
    %broadcast_in_dim3A_538 = vector.broadcast %jit3A_537 : f32 to vector<128x4096xf32>
    %select_n3A_539 = arith.select %eq3A_536, %broadcast_in_dim3A_538, %select_n3A_523 : vector<128x4096xi1>, vector<128x4096xf32>
    %reduce_max3A_540 = arith.constant dense<0xFF800000> : vector<128xf32>
    %reduce_max3A_541 = vector.multi_reduction <maximumf>, %select_n3A_539, %reduce_max3A_540 [1] : vector<128x4096xf32> to vector<128xf32>
    %broadcast_in_dim3A_542 = vector.shape_cast %reduce_max3A_541 : vector<128xf32> to vector<128x1xf32>
    %eq3A_543 = vector.broadcast %broadcast_in_dim3A_542 : vector<128x1xf32> to vector<128x4096xf32>
    %eq3A_544 = arith.cmpf oeq, %select_n3A_539, %eq3A_543 : vector<128x4096xf32>
    %jit3A_545 = arith.constant 4096 : i32
    %broadcast_in_dim3A_546 = vector.broadcast %jit3A_545 : i32 to vector<128x4096xi32>
    %select_n3A_547 = arith.select %eq3A_544, %iota3A, %broadcast_in_dim3A_546 : vector<128x4096xi1>, vector<128x4096xi32>
    %reduce_min3A_548 = arith.constant dense<2147483647> : vector<128xi32>
    %reduce_min3A_549 = vector.multi_reduction <minsi>, %select_n3A_547, %reduce_min3A_548 [1] : vector<128x4096xi32> to vector<128xi32>
    %broadcast_in_dim3A_550 = vector.shape_cast %reduce_min3A_549 : vector<128xi32> to vector<128x1xi32>
    %eq3A_551 = vector.broadcast %broadcast_in_dim3A_550 : vector<128x1xi32> to vector<128x4096xi32>
    %eq3A_552 = arith.cmpi eq, %iota3A, %eq3A_551 : vector<128x4096xi32>
    %jit3A_553 = arith.constant -3.000000e+00 : f32
    %broadcast_in_dim3A_554 = vector.broadcast %jit3A_553 : f32 to vector<128x4096xf32>
    %select_n3A_555 = arith.select %eq3A_552, %broadcast_in_dim3A_554, %select_n3A_539 : vector<128x4096xi1>, vector<128x4096xf32>
    %reduce_max3A_556 = arith.constant dense<0xFF800000> : vector<128xf32>
    %reduce_max3A_557 = vector.multi_reduction <maximumf>, %select_n3A_555, %reduce_max3A_556 [1] : vector<128x4096xf32> to vector<128xf32>
    %broadcast_in_dim3A_558 = vector.shape_cast %reduce_max3A_557 : vector<128xf32> to vector<128x1xf32>
    %eq3A_559 = vector.broadcast %broadcast_in_dim3A_558 : vector<128x1xf32> to vector<128x4096xf32>
    %eq3A_560 = arith.cmpf oeq, %select_n3A_555, %eq3A_559 : vector<128x4096xf32>
    %jit3A_561 = arith.constant 4096 : i32
    %broadcast_in_dim3A_562 = vector.broadcast %jit3A_561 : i32 to vector<128x4096xi32>
    %select_n3A_563 = arith.select %eq3A_560, %iota3A, %broadcast_in_dim3A_562 : vector<128x4096xi1>, vector<128x4096xi32>
    %reduce_min3A_564 = arith.constant dense<2147483647> : vector<128xi32>
    %reduce_min3A_565 = vector.multi_reduction <minsi>, %select_n3A_563, %reduce_min3A_564 [1] : vector<128x4096xi32> to vector<128xi32>
    %broadcast_in_dim3A_566 = vector.shape_cast %reduce_min3A_565 : vector<128xi32> to vector<128x1xi32>
    %eq3A_567 = vector.broadcast %broadcast_in_dim3A_566 : vector<128x1xi32> to vector<128x4096xi32>
    %eq3A_568 = arith.cmpi eq, %iota3A, %eq3A_567 : vector<128x4096xi32>
    %jit3A_569 = arith.constant -3.000000e+00 : f32
    %broadcast_in_dim3A_570 = vector.broadcast %jit3A_569 : f32 to vector<128x4096xf32>
    %select_n3A_571 = arith.select %eq3A_568, %broadcast_in_dim3A_570, %select_n3A_555 : vector<128x4096xi1>, vector<128x4096xf32>
    %reduce_max3A_572 = arith.constant dense<0xFF800000> : vector<128xf32>
    %reduce_max3A_573 = vector.multi_reduction <maximumf>, %select_n3A_571, %reduce_max3A_572 [1] : vector<128x4096xf32> to vector<128xf32>
    %broadcast_in_dim3A_574 = vector.shape_cast %reduce_max3A_573 : vector<128xf32> to vector<128x1xf32>
    %eq3A_575 = vector.broadcast %broadcast_in_dim3A_574 : vector<128x1xf32> to vector<128x4096xf32>
    %eq3A_576 = arith.cmpf oeq, %select_n3A_571, %eq3A_575 : vector<128x4096xf32>
    %jit3A_577 = arith.constant 4096 : i32
    %broadcast_in_dim3A_578 = vector.broadcast %jit3A_577 : i32 to vector<128x4096xi32>
    %select_n3A_579 = arith.select %eq3A_576, %iota3A, %broadcast_in_dim3A_578 : vector<128x4096xi1>, vector<128x4096xi32>
    %reduce_min3A_580 = arith.constant dense<2147483647> : vector<128xi32>
    %reduce_min3A_581 = vector.multi_reduction <minsi>, %select_n3A_579, %reduce_min3A_580 [1] : vector<128x4096xi32> to vector<128xi32>
    %broadcast_in_dim3A_582 = vector.shape_cast %reduce_min3A_581 : vector<128xi32> to vector<128x1xi32>
    %eq3A_583 = vector.broadcast %broadcast_in_dim3A_582 : vector<128x1xi32> to vector<128x4096xi32>
    %eq3A_584 = arith.cmpi eq, %iota3A, %eq3A_583 : vector<128x4096xi32>
    %jit3A_585 = arith.constant -3.000000e+00 : f32
    %broadcast_in_dim3A_586 = vector.broadcast %jit3A_585 : f32 to vector<128x4096xf32>
    %select_n3A_587 = arith.select %eq3A_584, %broadcast_in_dim3A_586, %select_n3A_571 : vector<128x4096xi1>, vector<128x4096xf32>
    %reduce_max3A_588 = arith.constant dense<0xFF800000> : vector<128xf32>
    %reduce_max3A_589 = vector.multi_reduction <maximumf>, %select_n3A_587, %reduce_max3A_588 [1] : vector<128x4096xf32> to vector<128xf32>
    %broadcast_in_dim3A_590 = vector.shape_cast %reduce_max3A_589 : vector<128xf32> to vector<128x1xf32>
    %eq3A_591 = vector.broadcast %broadcast_in_dim3A_590 : vector<128x1xf32> to vector<128x4096xf32>
    %eq3A_592 = arith.cmpf oeq, %select_n3A_587, %eq3A_591 : vector<128x4096xf32>
    %jit3A_593 = arith.constant 4096 : i32
    %broadcast_in_dim3A_594 = vector.broadcast %jit3A_593 : i32 to vector<128x4096xi32>
    %select_n3A_595 = arith.select %eq3A_592, %iota3A, %broadcast_in_dim3A_594 : vector<128x4096xi1>, vector<128x4096xi32>
    %reduce_min3A_596 = arith.constant dense<2147483647> : vector<128xi32>
    %reduce_min3A_597 = vector.multi_reduction <minsi>, %select_n3A_595, %reduce_min3A_596 [1] : vector<128x4096xi32> to vector<128xi32>
    %broadcast_in_dim3A_598 = vector.shape_cast %reduce_min3A_597 : vector<128xi32> to vector<128x1xi32>
    %eq3A_599 = vector.broadcast %broadcast_in_dim3A_598 : vector<128x1xi32> to vector<128x4096xi32>
    %eq3A_600 = arith.cmpi eq, %iota3A, %eq3A_599 : vector<128x4096xi32>
    %jit3A_601 = arith.constant -3.000000e+00 : f32
    %broadcast_in_dim3A_602 = vector.broadcast %jit3A_601 : f32 to vector<128x4096xf32>
    %select_n3A_603 = arith.select %eq3A_600, %broadcast_in_dim3A_602, %select_n3A_587 : vector<128x4096xi1>, vector<128x4096xf32>
    %reduce_max3A_604 = arith.constant dense<0xFF800000> : vector<128xf32>
    %reduce_max3A_605 = vector.multi_reduction <maximumf>, %select_n3A_603, %reduce_max3A_604 [1] : vector<128x4096xf32> to vector<128xf32>
    %broadcast_in_dim3A_606 = vector.shape_cast %reduce_max3A_605 : vector<128xf32> to vector<128x1xf32>
    %eq3A_607 = vector.broadcast %broadcast_in_dim3A_606 : vector<128x1xf32> to vector<128x4096xf32>
    %eq3A_608 = arith.cmpf oeq, %select_n3A_603, %eq3A_607 : vector<128x4096xf32>
    %jit3A_609 = arith.constant 4096 : i32
    %broadcast_in_dim3A_610 = vector.broadcast %jit3A_609 : i32 to vector<128x4096xi32>
    %select_n3A_611 = arith.select %eq3A_608, %iota3A, %broadcast_in_dim3A_610 : vector<128x4096xi1>, vector<128x4096xi32>
    %reduce_min3A_612 = arith.constant dense<2147483647> : vector<128xi32>
    %reduce_min3A_613 = vector.multi_reduction <minsi>, %select_n3A_611, %reduce_min3A_612 [1] : vector<128x4096xi32> to vector<128xi32>
    %broadcast_in_dim3A_614 = vector.shape_cast %reduce_min3A_613 : vector<128xi32> to vector<128x1xi32>
    %eq3A_615 = vector.broadcast %broadcast_in_dim3A_614 : vector<128x1xi32> to vector<128x4096xi32>
    %eq3A_616 = arith.cmpi eq, %iota3A, %eq3A_615 : vector<128x4096xi32>
    %jit3A_617 = arith.constant -3.000000e+00 : f32
    %broadcast_in_dim3A_618 = vector.broadcast %jit3A_617 : f32 to vector<128x4096xf32>
    %select_n3A_619 = arith.select %eq3A_616, %broadcast_in_dim3A_618, %select_n3A_603 : vector<128x4096xi1>, vector<128x4096xf32>
    %reduce_max3A_620 = arith.constant dense<0xFF800000> : vector<128xf32>
    %reduce_max3A_621 = vector.multi_reduction <maximumf>, %select_n3A_619, %reduce_max3A_620 [1] : vector<128x4096xf32> to vector<128xf32>
    %broadcast_in_dim3A_622 = vector.shape_cast %reduce_max3A_621 : vector<128xf32> to vector<128x1xf32>
    %eq3A_623 = vector.broadcast %broadcast_in_dim3A_622 : vector<128x1xf32> to vector<128x4096xf32>
    %eq3A_624 = arith.cmpf oeq, %select_n3A_619, %eq3A_623 : vector<128x4096xf32>
    %jit3A_625 = arith.constant 4096 : i32
    %broadcast_in_dim3A_626 = vector.broadcast %jit3A_625 : i32 to vector<128x4096xi32>
    %select_n3A_627 = arith.select %eq3A_624, %iota3A, %broadcast_in_dim3A_626 : vector<128x4096xi1>, vector<128x4096xi32>
    %reduce_min3A_628 = arith.constant dense<2147483647> : vector<128xi32>
    %reduce_min3A_629 = vector.multi_reduction <minsi>, %select_n3A_627, %reduce_min3A_628 [1] : vector<128x4096xi32> to vector<128xi32>
    %broadcast_in_dim3A_630 = vector.shape_cast %reduce_min3A_629 : vector<128xi32> to vector<128x1xi32>
    %eq3A_631 = vector.broadcast %broadcast_in_dim3A_630 : vector<128x1xi32> to vector<128x4096xi32>
    %eq3A_632 = arith.cmpi eq, %iota3A, %eq3A_631 : vector<128x4096xi32>
    %jit3A_633 = arith.constant -3.000000e+00 : f32
    %broadcast_in_dim3A_634 = vector.broadcast %jit3A_633 : f32 to vector<128x4096xf32>
    %select_n3A_635 = arith.select %eq3A_632, %broadcast_in_dim3A_634, %select_n3A_619 : vector<128x4096xi1>, vector<128x4096xf32>
    %reduce_max3A_636 = arith.constant dense<0xFF800000> : vector<128xf32>
    %reduce_max3A_637 = vector.multi_reduction <maximumf>, %select_n3A_635, %reduce_max3A_636 [1] : vector<128x4096xf32> to vector<128xf32>
    %broadcast_in_dim3A_638 = vector.shape_cast %reduce_max3A_637 : vector<128xf32> to vector<128x1xf32>
    %eq3A_639 = vector.broadcast %broadcast_in_dim3A_638 : vector<128x1xf32> to vector<128x4096xf32>
    %eq3A_640 = arith.cmpf oeq, %select_n3A_635, %eq3A_639 : vector<128x4096xf32>
    %jit3A_641 = arith.constant 4096 : i32
    %broadcast_in_dim3A_642 = vector.broadcast %jit3A_641 : i32 to vector<128x4096xi32>
    %select_n3A_643 = arith.select %eq3A_640, %iota3A, %broadcast_in_dim3A_642 : vector<128x4096xi1>, vector<128x4096xi32>
    %reduce_min3A_644 = arith.constant dense<2147483647> : vector<128xi32>
    %reduce_min3A_645 = vector.multi_reduction <minsi>, %select_n3A_643, %reduce_min3A_644 [1] : vector<128x4096xi32> to vector<128xi32>
    %broadcast_in_dim3A_646 = vector.shape_cast %reduce_min3A_645 : vector<128xi32> to vector<128x1xi32>
    %eq3A_647 = vector.broadcast %broadcast_in_dim3A_646 : vector<128x1xi32> to vector<128x4096xi32>
    %eq3A_648 = arith.cmpi eq, %iota3A, %eq3A_647 : vector<128x4096xi32>
    %jit3A_649 = arith.constant -3.000000e+00 : f32
    %broadcast_in_dim3A_650 = vector.broadcast %jit3A_649 : f32 to vector<128x4096xf32>
    %select_n3A_651 = arith.select %eq3A_648, %broadcast_in_dim3A_650, %select_n3A_635 : vector<128x4096xi1>, vector<128x4096xf32>
    %reduce_max3A_652 = arith.constant dense<0xFF800000> : vector<128xf32>
    %reduce_max3A_653 = vector.multi_reduction <maximumf>, %select_n3A_651, %reduce_max3A_652 [1] : vector<128x4096xf32> to vector<128xf32>
    %broadcast_in_dim3A_654 = vector.shape_cast %reduce_max3A_653 : vector<128xf32> to vector<128x1xf32>
    %eq3A_655 = vector.broadcast %broadcast_in_dim3A_654 : vector<128x1xf32> to vector<128x4096xf32>
    %eq3A_656 = arith.cmpf oeq, %select_n3A_651, %eq3A_655 : vector<128x4096xf32>
    %jit3A_657 = arith.constant 4096 : i32
    %broadcast_in_dim3A_658 = vector.broadcast %jit3A_657 : i32 to vector<128x4096xi32>
    %select_n3A_659 = arith.select %eq3A_656, %iota3A, %broadcast_in_dim3A_658 : vector<128x4096xi1>, vector<128x4096xi32>
    %reduce_min3A_660 = arith.constant dense<2147483647> : vector<128xi32>
    %reduce_min3A_661 = vector.multi_reduction <minsi>, %select_n3A_659, %reduce_min3A_660 [1] : vector<128x4096xi32> to vector<128xi32>
    %broadcast_in_dim3A_662 = vector.shape_cast %reduce_min3A_661 : vector<128xi32> to vector<128x1xi32>
    %eq3A_663 = vector.broadcast %broadcast_in_dim3A_662 : vector<128x1xi32> to vector<128x4096xi32>
    %eq3A_664 = arith.cmpi eq, %iota3A, %eq3A_663 : vector<128x4096xi32>
    %jit3A_665 = arith.constant -3.000000e+00 : f32
    %broadcast_in_dim3A_666 = vector.broadcast %jit3A_665 : f32 to vector<128x4096xf32>
    %select_n3A_667 = arith.select %eq3A_664, %broadcast_in_dim3A_666, %select_n3A_651 : vector<128x4096xi1>, vector<128x4096xf32>
    %reduce_max3A_668 = arith.constant dense<0xFF800000> : vector<128xf32>
    %reduce_max3A_669 = vector.multi_reduction <maximumf>, %select_n3A_667, %reduce_max3A_668 [1] : vector<128x4096xf32> to vector<128xf32>
    %broadcast_in_dim3A_670 = vector.shape_cast %reduce_max3A_669 : vector<128xf32> to vector<128x1xf32>
    %eq3A_671 = vector.broadcast %broadcast_in_dim3A_670 : vector<128x1xf32> to vector<128x4096xf32>
    %eq3A_672 = arith.cmpf oeq, %select_n3A_667, %eq3A_671 : vector<128x4096xf32>
    %jit3A_673 = arith.constant 4096 : i32
    %broadcast_in_dim3A_674 = vector.broadcast %jit3A_673 : i32 to vector<128x4096xi32>
    %select_n3A_675 = arith.select %eq3A_672, %iota3A, %broadcast_in_dim3A_674 : vector<128x4096xi1>, vector<128x4096xi32>
    %reduce_min3A_676 = arith.constant dense<2147483647> : vector<128xi32>
    %reduce_min3A_677 = vector.multi_reduction <minsi>, %select_n3A_675, %reduce_min3A_676 [1] : vector<128x4096xi32> to vector<128xi32>
    %broadcast_in_dim3A_678 = vector.shape_cast %reduce_min3A_677 : vector<128xi32> to vector<128x1xi32>
    %eq3A_679 = vector.broadcast %broadcast_in_dim3A_678 : vector<128x1xi32> to vector<128x4096xi32>
    %eq3A_680 = arith.cmpi eq, %iota3A, %eq3A_679 : vector<128x4096xi32>
    %jit3A_681 = arith.constant -3.000000e+00 : f32
    %broadcast_in_dim3A_682 = vector.broadcast %jit3A_681 : f32 to vector<128x4096xf32>
    %select_n3A_683 = arith.select %eq3A_680, %broadcast_in_dim3A_682, %select_n3A_667 : vector<128x4096xi1>, vector<128x4096xf32>
    %reduce_max3A_684 = arith.constant dense<0xFF800000> : vector<128xf32>
    %reduce_max3A_685 = vector.multi_reduction <maximumf>, %select_n3A_683, %reduce_max3A_684 [1] : vector<128x4096xf32> to vector<128xf32>
    %broadcast_in_dim3A_686 = vector.shape_cast %reduce_max3A_685 : vector<128xf32> to vector<128x1xf32>
    %eq3A_687 = vector.broadcast %broadcast_in_dim3A_686 : vector<128x1xf32> to vector<128x4096xf32>
    %eq3A_688 = arith.cmpf oeq, %select_n3A_683, %eq3A_687 : vector<128x4096xf32>
    %jit3A_689 = arith.constant 4096 : i32
    %broadcast_in_dim3A_690 = vector.broadcast %jit3A_689 : i32 to vector<128x4096xi32>
    %select_n3A_691 = arith.select %eq3A_688, %iota3A, %broadcast_in_dim3A_690 : vector<128x4096xi1>, vector<128x4096xi32>
    %reduce_min3A_692 = arith.constant dense<2147483647> : vector<128xi32>
    %reduce_min3A_693 = vector.multi_reduction <minsi>, %select_n3A_691, %reduce_min3A_692 [1] : vector<128x4096xi32> to vector<128xi32>
    %broadcast_in_dim3A_694 = vector.shape_cast %reduce_min3A_693 : vector<128xi32> to vector<128x1xi32>
    %eq3A_695 = vector.broadcast %broadcast_in_dim3A_694 : vector<128x1xi32> to vector<128x4096xi32>
    %eq3A_696 = arith.cmpi eq, %iota3A, %eq3A_695 : vector<128x4096xi32>
    %jit3A_697 = arith.constant -3.000000e+00 : f32
    %broadcast_in_dim3A_698 = vector.broadcast %jit3A_697 : f32 to vector<128x4096xf32>
    %select_n3A_699 = arith.select %eq3A_696, %broadcast_in_dim3A_698, %select_n3A_683 : vector<128x4096xi1>, vector<128x4096xf32>
    %reduce_max3A_700 = arith.constant dense<0xFF800000> : vector<128xf32>
    %reduce_max3A_701 = vector.multi_reduction <maximumf>, %select_n3A_699, %reduce_max3A_700 [1] : vector<128x4096xf32> to vector<128xf32>
    %broadcast_in_dim3A_702 = vector.shape_cast %reduce_max3A_701 : vector<128xf32> to vector<128x1xf32>
    %eq3A_703 = vector.broadcast %broadcast_in_dim3A_702 : vector<128x1xf32> to vector<128x4096xf32>
    %eq3A_704 = arith.cmpf oeq, %select_n3A_699, %eq3A_703 : vector<128x4096xf32>
    %jit3A_705 = arith.constant 4096 : i32
    %broadcast_in_dim3A_706 = vector.broadcast %jit3A_705 : i32 to vector<128x4096xi32>
    %select_n3A_707 = arith.select %eq3A_704, %iota3A, %broadcast_in_dim3A_706 : vector<128x4096xi1>, vector<128x4096xi32>
    %reduce_min3A_708 = arith.constant dense<2147483647> : vector<128xi32>
    %reduce_min3A_709 = vector.multi_reduction <minsi>, %select_n3A_707, %reduce_min3A_708 [1] : vector<128x4096xi32> to vector<128xi32>
    %broadcast_in_dim3A_710 = vector.shape_cast %reduce_min3A_709 : vector<128xi32> to vector<128x1xi32>
    %eq3A_711 = vector.broadcast %broadcast_in_dim3A_710 : vector<128x1xi32> to vector<128x4096xi32>
    %eq3A_712 = arith.cmpi eq, %iota3A, %eq3A_711 : vector<128x4096xi32>
    %jit3A_713 = arith.constant -3.000000e+00 : f32
    %broadcast_in_dim3A_714 = vector.broadcast %jit3A_713 : f32 to vector<128x4096xf32>
    %select_n3A_715 = arith.select %eq3A_712, %broadcast_in_dim3A_714, %select_n3A_699 : vector<128x4096xi1>, vector<128x4096xf32>
    %reduce_max3A_716 = arith.constant dense<0xFF800000> : vector<128xf32>
    %reduce_max3A_717 = vector.multi_reduction <maximumf>, %select_n3A_715, %reduce_max3A_716 [1] : vector<128x4096xf32> to vector<128xf32>
    %broadcast_in_dim3A_718 = vector.shape_cast %reduce_max3A_717 : vector<128xf32> to vector<128x1xf32>
    %eq3A_719 = vector.broadcast %broadcast_in_dim3A_718 : vector<128x1xf32> to vector<128x4096xf32>
    %eq3A_720 = arith.cmpf oeq, %select_n3A_715, %eq3A_719 : vector<128x4096xf32>
    %jit3A_721 = arith.constant 4096 : i32
    %broadcast_in_dim3A_722 = vector.broadcast %jit3A_721 : i32 to vector<128x4096xi32>
    %select_n3A_723 = arith.select %eq3A_720, %iota3A, %broadcast_in_dim3A_722 : vector<128x4096xi1>, vector<128x4096xi32>
    %reduce_min3A_724 = arith.constant dense<2147483647> : vector<128xi32>
    %reduce_min3A_725 = vector.multi_reduction <minsi>, %select_n3A_723, %reduce_min3A_724 [1] : vector<128x4096xi32> to vector<128xi32>
    %broadcast_in_dim3A_726 = vector.shape_cast %reduce_min3A_725 : vector<128xi32> to vector<128x1xi32>
    %eq3A_727 = vector.broadcast %broadcast_in_dim3A_726 : vector<128x1xi32> to vector<128x4096xi32>
    %eq3A_728 = arith.cmpi eq, %iota3A, %eq3A_727 : vector<128x4096xi32>
    %jit3A_729 = arith.constant -3.000000e+00 : f32
    %broadcast_in_dim3A_730 = vector.broadcast %jit3A_729 : f32 to vector<128x4096xf32>
    %select_n3A_731 = arith.select %eq3A_728, %broadcast_in_dim3A_730, %select_n3A_715 : vector<128x4096xi1>, vector<128x4096xf32>
    %reduce_max3A_732 = arith.constant dense<0xFF800000> : vector<128xf32>
    %reduce_max3A_733 = vector.multi_reduction <maximumf>, %select_n3A_731, %reduce_max3A_732 [1] : vector<128x4096xf32> to vector<128xf32>
    %broadcast_in_dim3A_734 = vector.shape_cast %reduce_max3A_733 : vector<128xf32> to vector<128x1xf32>
    %eq3A_735 = vector.broadcast %broadcast_in_dim3A_734 : vector<128x1xf32> to vector<128x4096xf32>
    %eq3A_736 = arith.cmpf oeq, %select_n3A_731, %eq3A_735 : vector<128x4096xf32>
    %jit3A_737 = arith.constant 4096 : i32
    %broadcast_in_dim3A_738 = vector.broadcast %jit3A_737 : i32 to vector<128x4096xi32>
    %select_n3A_739 = arith.select %eq3A_736, %iota3A, %broadcast_in_dim3A_738 : vector<128x4096xi1>, vector<128x4096xi32>
    %reduce_min3A_740 = arith.constant dense<2147483647> : vector<128xi32>
    %reduce_min3A_741 = vector.multi_reduction <minsi>, %select_n3A_739, %reduce_min3A_740 [1] : vector<128x4096xi32> to vector<128xi32>
    %broadcast_in_dim3A_742 = vector.shape_cast %reduce_min3A_741 : vector<128xi32> to vector<128x1xi32>
    %eq3A_743 = vector.broadcast %broadcast_in_dim3A_742 : vector<128x1xi32> to vector<128x4096xi32>
    %eq3A_744 = arith.cmpi eq, %iota3A, %eq3A_743 : vector<128x4096xi32>
    %jit3A_745 = arith.constant -3.000000e+00 : f32
    %broadcast_in_dim3A_746 = vector.broadcast %jit3A_745 : f32 to vector<128x4096xf32>
    %select_n3A_747 = arith.select %eq3A_744, %broadcast_in_dim3A_746, %select_n3A_731 : vector<128x4096xi1>, vector<128x4096xf32>
    %reduce_max3A_748 = arith.constant dense<0xFF800000> : vector<128xf32>
    %reduce_max3A_749 = vector.multi_reduction <maximumf>, %select_n3A_747, %reduce_max3A_748 [1] : vector<128x4096xf32> to vector<128xf32>
    %broadcast_in_dim3A_750 = vector.shape_cast %reduce_max3A_749 : vector<128xf32> to vector<128x1xf32>
    %eq3A_751 = vector.broadcast %broadcast_in_dim3A_750 : vector<128x1xf32> to vector<128x4096xf32>
    %eq3A_752 = arith.cmpf oeq, %select_n3A_747, %eq3A_751 : vector<128x4096xf32>
    %jit3A_753 = arith.constant 4096 : i32
    %broadcast_in_dim3A_754 = vector.broadcast %jit3A_753 : i32 to vector<128x4096xi32>
    %select_n3A_755 = arith.select %eq3A_752, %iota3A, %broadcast_in_dim3A_754 : vector<128x4096xi1>, vector<128x4096xi32>
    %reduce_min3A_756 = arith.constant dense<2147483647> : vector<128xi32>
    %reduce_min3A_757 = vector.multi_reduction <minsi>, %select_n3A_755, %reduce_min3A_756 [1] : vector<128x4096xi32> to vector<128xi32>
    %broadcast_in_dim3A_758 = vector.shape_cast %reduce_min3A_757 : vector<128xi32> to vector<128x1xi32>
    %eq3A_759 = vector.broadcast %broadcast_in_dim3A_758 : vector<128x1xi32> to vector<128x4096xi32>
    %eq3A_760 = arith.cmpi eq, %iota3A, %eq3A_759 : vector<128x4096xi32>
    %jit3A_761 = arith.constant -3.000000e+00 : f32
    %broadcast_in_dim3A_762 = vector.broadcast %jit3A_761 : f32 to vector<128x4096xf32>
    %select_n3A_763 = arith.select %eq3A_760, %broadcast_in_dim3A_762, %select_n3A_747 : vector<128x4096xi1>, vector<128x4096xf32>
    %reduce_max3A_764 = arith.constant dense<0xFF800000> : vector<128xf32>
    %reduce_max3A_765 = vector.multi_reduction <maximumf>, %select_n3A_763, %reduce_max3A_764 [1] : vector<128x4096xf32> to vector<128xf32>
    %broadcast_in_dim3A_766 = vector.shape_cast %reduce_max3A_765 : vector<128xf32> to vector<128x1xf32>
    %eq3A_767 = vector.broadcast %broadcast_in_dim3A_766 : vector<128x1xf32> to vector<128x4096xf32>
    %eq3A_768 = arith.cmpf oeq, %select_n3A_763, %eq3A_767 : vector<128x4096xf32>
    %jit3A_769 = arith.constant 4096 : i32
    %broadcast_in_dim3A_770 = vector.broadcast %jit3A_769 : i32 to vector<128x4096xi32>
    %select_n3A_771 = arith.select %eq3A_768, %iota3A, %broadcast_in_dim3A_770 : vector<128x4096xi1>, vector<128x4096xi32>
    %reduce_min3A_772 = arith.constant dense<2147483647> : vector<128xi32>
    %reduce_min3A_773 = vector.multi_reduction <minsi>, %select_n3A_771, %reduce_min3A_772 [1] : vector<128x4096xi32> to vector<128xi32>
    %broadcast_in_dim3A_774 = vector.shape_cast %reduce_min3A_773 : vector<128xi32> to vector<128x1xi32>
    %eq3A_775 = vector.broadcast %broadcast_in_dim3A_774 : vector<128x1xi32> to vector<128x4096xi32>
    %eq3A_776 = arith.cmpi eq, %iota3A, %eq3A_775 : vector<128x4096xi32>
    %jit3A_777 = arith.constant -3.000000e+00 : f32
    %broadcast_in_dim3A_778 = vector.broadcast %jit3A_777 : f32 to vector<128x4096xf32>
    %select_n3A_779 = arith.select %eq3A_776, %broadcast_in_dim3A_778, %select_n3A_763 : vector<128x4096xi1>, vector<128x4096xf32>
    %reduce_max3A_780 = arith.constant dense<0xFF800000> : vector<128xf32>
    %reduce_max3A_781 = vector.multi_reduction <maximumf>, %select_n3A_779, %reduce_max3A_780 [1] : vector<128x4096xf32> to vector<128xf32>
    %broadcast_in_dim3A_782 = vector.shape_cast %reduce_max3A_781 : vector<128xf32> to vector<128x1xf32>
    %eq3A_783 = vector.broadcast %broadcast_in_dim3A_782 : vector<128x1xf32> to vector<128x4096xf32>
    %eq3A_784 = arith.cmpf oeq, %select_n3A_779, %eq3A_783 : vector<128x4096xf32>
    %jit3A_785 = arith.constant 4096 : i32
    %broadcast_in_dim3A_786 = vector.broadcast %jit3A_785 : i32 to vector<128x4096xi32>
    %select_n3A_787 = arith.select %eq3A_784, %iota3A, %broadcast_in_dim3A_786 : vector<128x4096xi1>, vector<128x4096xi32>
    %reduce_min3A_788 = arith.constant dense<2147483647> : vector<128xi32>
    %reduce_min3A_789 = vector.multi_reduction <minsi>, %select_n3A_787, %reduce_min3A_788 [1] : vector<128x4096xi32> to vector<128xi32>
    %stack3A = vector.shape_cast %reduce_max3A_2 : vector<128xf32> to vector<128x1xf32>
    %stack3A_790 = vector.shape_cast %reduce_max3A_13 : vector<128xf32> to vector<128x1xf32>
    %stack3A_791 = vector.shape_cast %reduce_max3A_29 : vector<128xf32> to vector<128x1xf32>
    %stack3A_792 = vector.shape_cast %reduce_max3A_45 : vector<128xf32> to vector<128x1xf32>
    %stack3A_793 = vector.shape_cast %reduce_max3A_61 : vector<128xf32> to vector<128x1xf32>
    %stack3A_794 = vector.shape_cast %reduce_max3A_77 : vector<128xf32> to vector<128x1xf32>
    %stack3A_795 = vector.shape_cast %reduce_max3A_93 : vector<128xf32> to vector<128x1xf32>
    %stack3A_796 = vector.shape_cast %reduce_max3A_109 : vector<128xf32> to vector<128x1xf32>
    %stack3A_797 = vector.shape_cast %reduce_max3A_125 : vector<128xf32> to vector<128x1xf32>
    %stack3A_798 = vector.shape_cast %reduce_max3A_141 : vector<128xf32> to vector<128x1xf32>
    %stack3A_799 = vector.shape_cast %reduce_max3A_157 : vector<128xf32> to vector<128x1xf32>
    %stack3A_800 = vector.shape_cast %reduce_max3A_173 : vector<128xf32> to vector<128x1xf32>
    %stack3A_801 = vector.shape_cast %reduce_max3A_189 : vector<128xf32> to vector<128x1xf32>
    %stack3A_802 = vector.shape_cast %reduce_max3A_205 : vector<128xf32> to vector<128x1xf32>
    %stack3A_803 = vector.shape_cast %reduce_max3A_221 : vector<128xf32> to vector<128x1xf32>
    %stack3A_804 = vector.shape_cast %reduce_max3A_237 : vector<128xf32> to vector<128x1xf32>
    %stack3A_805 = vector.shape_cast %reduce_max3A_253 : vector<128xf32> to vector<128x1xf32>
    %stack3A_806 = vector.shape_cast %reduce_max3A_269 : vector<128xf32> to vector<128x1xf32>
    %stack3A_807 = vector.shape_cast %reduce_max3A_285 : vector<128xf32> to vector<128x1xf32>
    %stack3A_808 = vector.shape_cast %reduce_max3A_301 : vector<128xf32> to vector<128x1xf32>
    %stack3A_809 = vector.shape_cast %reduce_max3A_317 : vector<128xf32> to vector<128x1xf32>
    %stack3A_810 = vector.shape_cast %reduce_max3A_333 : vector<128xf32> to vector<128x1xf32>
    %stack3A_811 = vector.shape_cast %reduce_max3A_349 : vector<128xf32> to vector<128x1xf32>
    %stack3A_812 = vector.shape_cast %reduce_max3A_365 : vector<128xf32> to vector<128x1xf32>
    %stack3A_813 = vector.shape_cast %reduce_max3A_381 : vector<128xf32> to vector<128x1xf32>
    %stack3A_814 = vector.shape_cast %reduce_max3A_397 : vector<128xf32> to vector<128x1xf32>
    %stack3A_815 = vector.shape_cast %reduce_max3A_413 : vector<128xf32> to vector<128x1xf32>
    %stack3A_816 = vector.shape_cast %reduce_max3A_429 : vector<128xf32> to vector<128x1xf32>
    %stack3A_817 = vector.shape_cast %reduce_max3A_445 : vector<128xf32> to vector<128x1xf32>
    %stack3A_818 = vector.shape_cast %reduce_max3A_461 : vector<128xf32> to vector<128x1xf32>
    %stack3A_819 = vector.shape_cast %reduce_max3A_477 : vector<128xf32> to vector<128x1xf32>
    %stack3A_820 = vector.shape_cast %reduce_max3A_493 : vector<128xf32> to vector<128x1xf32>
    %stack3A_821 = vector.shape_cast %reduce_max3A_509 : vector<128xf32> to vector<128x1xf32>
    %stack3A_822 = vector.shape_cast %reduce_max3A_525 : vector<128xf32> to vector<128x1xf32>
    %stack3A_823 = vector.shape_cast %reduce_max3A_541 : vector<128xf32> to vector<128x1xf32>
    %stack3A_824 = vector.shape_cast %reduce_max3A_557 : vector<128xf32> to vector<128x1xf32>
    %stack3A_825 = vector.shape_cast %reduce_max3A_573 : vector<128xf32> to vector<128x1xf32>
    %stack3A_826 = vector.shape_cast %reduce_max3A_589 : vector<128xf32> to vector<128x1xf32>
    %stack3A_827 = vector.shape_cast %reduce_max3A_605 : vector<128xf32> to vector<128x1xf32>
    %stack3A_828 = vector.shape_cast %reduce_max3A_621 : vector<128xf32> to vector<128x1xf32>
    %stack3A_829 = vector.shape_cast %reduce_max3A_637 : vector<128xf32> to vector<128x1xf32>
    %stack3A_830 = vector.shape_cast %reduce_max3A_653 : vector<128xf32> to vector<128x1xf32>
    %stack3A_831 = vector.shape_cast %reduce_max3A_669 : vector<128xf32> to vector<128x1xf32>
    %stack3A_832 = vector.shape_cast %reduce_max3A_685 : vector<128xf32> to vector<128x1xf32>
    %stack3A_833 = vector.shape_cast %reduce_max3A_701 : vector<128xf32> to vector<128x1xf32>
    %stack3A_834 = vector.shape_cast %reduce_max3A_717 : vector<128xf32> to vector<128x1xf32>
    %stack3A_835 = vector.shape_cast %reduce_max3A_733 : vector<128xf32> to vector<128x1xf32>
    %stack3A_836 = vector.shape_cast %reduce_max3A_749 : vector<128xf32> to vector<128x1xf32>
    %stack3A_837 = vector.shape_cast %reduce_max3A_765 : vector<128xf32> to vector<128x1xf32>
    %stack3A_838 = vector.shape_cast %reduce_max3A_781 : vector<128xf32> to vector<128x1xf32>
    %stack3A_839 = tpu.concatenate %stack3A, %stack3A_790, %stack3A_791, %stack3A_792, %stack3A_793, %stack3A_794, %stack3A_795, %stack3A_796, %stack3A_797, %stack3A_798, %stack3A_799, %stack3A_800, %stack3A_801, %stack3A_802, %stack3A_803, %stack3A_804, %stack3A_805, %stack3A_806, %stack3A_807, %stack3A_808, %stack3A_809, %stack3A_810, %stack3A_811, %stack3A_812, %stack3A_813, %stack3A_814, %stack3A_815, %stack3A_816, %stack3A_817, %stack3A_818, %stack3A_819, %stack3A_820, %stack3A_821, %stack3A_822, %stack3A_823, %stack3A_824, %stack3A_825, %stack3A_826, %stack3A_827, %stack3A_828, %stack3A_829, %stack3A_830, %stack3A_831, %stack3A_832, %stack3A_833, %stack3A_834, %stack3A_835, %stack3A_836, %stack3A_837, %stack3A_838 in 1 : vector<128x1xf32>, vector<128x1xf32>, vector<128x1xf32>, vector<128x1xf32>, vector<128x1xf32>, vector<128x1xf32>, vector<128x1xf32>, vector<128x1xf32>, vector<128x1xf32>, vector<128x1xf32>, vector<128x1xf32>, vector<128x1xf32>, vector<128x1xf32>, vector<128x1xf32>, vector<128x1xf32>, vector<128x1xf32>, vector<128x1xf32>, vector<128x1xf32>, vector<128x1xf32>, vector<128x1xf32>, vector<128x1xf32>, vector<128x1xf32>, vector<128x1xf32>, vector<128x1xf32>, vector<128x1xf32>, vector<128x1xf32>, vector<128x1xf32>, vector<128x1xf32>, vector<128x1xf32>, vector<128x1xf32>, vector<128x1xf32>, vector<128x1xf32>, vector<128x1xf32>, vector<128x1xf32>, vector<128x1xf32>, vector<128x1xf32>, vector<128x1xf32>, vector<128x1xf32>, vector<128x1xf32>, vector<128x1xf32>, vector<128x1xf32>, vector<128x1xf32>, vector<128x1xf32>, vector<128x1xf32>, vector<128x1xf32>, vector<128x1xf32>, vector<128x1xf32>, vector<128x1xf32>, vector<128x1xf32>, vector<128x1xf32> -> vector<128x50xf32>
    %stack3A_840 = vector.shape_cast %reduce_min3A_5 : vector<128xi32> to vector<128x1xi32>
    %stack3A_841 = vector.shape_cast %reduce_min3A_21 : vector<128xi32> to vector<128x1xi32>
    %stack3A_842 = vector.shape_cast %reduce_min3A_37 : vector<128xi32> to vector<128x1xi32>
    %stack3A_843 = vector.shape_cast %reduce_min3A_53 : vector<128xi32> to vector<128x1xi32>
    %stack3A_844 = vector.shape_cast %reduce_min3A_69 : vector<128xi32> to vector<128x1xi32>
    %stack3A_845 = vector.shape_cast %reduce_min3A_85 : vector<128xi32> to vector<128x1xi32>
    %stack3A_846 = vector.shape_cast %reduce_min3A_101 : vector<128xi32> to vector<128x1xi32>
    %stack3A_847 = vector.shape_cast %reduce_min3A_117 : vector<128xi32> to vector<128x1xi32>
    %stack3A_848 = vector.shape_cast %reduce_min3A_133 : vector<128xi32> to vector<128x1xi32>
    %stack3A_849 = vector.shape_cast %reduce_min3A_149 : vector<128xi32> to vector<128x1xi32>
    %stack3A_850 = vector.shape_cast %reduce_min3A_165 : vector<128xi32> to vector<128x1xi32>
    %stack3A_851 = vector.shape_cast %reduce_min3A_181 : vector<128xi32> to vector<128x1xi32>
    %stack3A_852 = vector.shape_cast %reduce_min3A_197 : vector<128xi32> to vector<128x1xi32>
    %stack3A_853 = vector.shape_cast %reduce_min3A_213 : vector<128xi32> to vector<128x1xi32>
    %stack3A_854 = vector.shape_cast %reduce_min3A_229 : vector<128xi32> to vector<128x1xi32>
    %stack3A_855 = vector.shape_cast %reduce_min3A_245 : vector<128xi32> to vector<128x1xi32>
    %stack3A_856 = vector.shape_cast %reduce_min3A_261 : vector<128xi32> to vector<128x1xi32>
    %stack3A_857 = vector.shape_cast %reduce_min3A_277 : vector<128xi32> to vector<128x1xi32>
    %stack3A_858 = vector.shape_cast %reduce_min3A_293 : vector<128xi32> to vector<128x1xi32>
    %stack3A_859 = vector.shape_cast %reduce_min3A_309 : vector<128xi32> to vector<128x1xi32>
    %stack3A_860 = vector.shape_cast %reduce_min3A_325 : vector<128xi32> to vector<128x1xi32>
    %stack3A_861 = vector.shape_cast %reduce_min3A_341 : vector<128xi32> to vector<128x1xi32>
    %stack3A_862 = vector.shape_cast %reduce_min3A_357 : vector<128xi32> to vector<128x1xi32>
    %stack3A_863 = vector.shape_cast %reduce_min3A_373 : vector<128xi32> to vector<128x1xi32>
    %stack3A_864 = vector.shape_cast %reduce_min3A_389 : vector<128xi32> to vector<128x1xi32>
    %stack3A_865 = vector.shape_cast %reduce_min3A_405 : vector<128xi32> to vector<128x1xi32>
    %stack3A_866 = vector.shape_cast %reduce_min3A_421 : vector<128xi32> to vector<128x1xi32>
    %stack3A_867 = vector.shape_cast %reduce_min3A_437 : vector<128xi32> to vector<128x1xi32>
    %stack3A_868 = vector.shape_cast %reduce_min3A_453 : vector<128xi32> to vector<128x1xi32>
    %stack3A_869 = vector.shape_cast %reduce_min3A_469 : vector<128xi32> to vector<128x1xi32>
    %stack3A_870 = vector.shape_cast %reduce_min3A_485 : vector<128xi32> to vector<128x1xi32>
    %stack3A_871 = vector.shape_cast %reduce_min3A_501 : vector<128xi32> to vector<128x1xi32>
    %stack3A_872 = vector.shape_cast %reduce_min3A_517 : vector<128xi32> to vector<128x1xi32>
    %stack3A_873 = vector.shape_cast %reduce_min3A_533 : vector<128xi32> to vector<128x1xi32>
    %stack3A_874 = vector.shape_cast %reduce_min3A_549 : vector<128xi32> to vector<128x1xi32>
    %stack3A_875 = vector.shape_cast %reduce_min3A_565 : vector<128xi32> to vector<128x1xi32>
    %stack3A_876 = vector.shape_cast %reduce_min3A_581 : vector<128xi32> to vector<128x1xi32>
    %stack3A_877 = vector.shape_cast %reduce_min3A_597 : vector<128xi32> to vector<128x1xi32>
    %stack3A_878 = vector.shape_cast %reduce_min3A_613 : vector<128xi32> to vector<128x1xi32>
    %stack3A_879 = vector.shape_cast %reduce_min3A_629 : vector<128xi32> to vector<128x1xi32>
    %stack3A_880 = vector.shape_cast %reduce_min3A_645 : vector<128xi32> to vector<128x1xi32>
    %stack3A_881 = vector.shape_cast %reduce_min3A_661 : vector<128xi32> to vector<128x1xi32>
    %stack3A_882 = vector.shape_cast %reduce_min3A_677 : vector<128xi32> to vector<128x1xi32>
    %stack3A_883 = vector.shape_cast %reduce_min3A_693 : vector<128xi32> to vector<128x1xi32>
    %stack3A_884 = vector.shape_cast %reduce_min3A_709 : vector<128xi32> to vector<128x1xi32>
    %stack3A_885 = vector.shape_cast %reduce_min3A_725 : vector<128xi32> to vector<128x1xi32>
    %stack3A_886 = vector.shape_cast %reduce_min3A_741 : vector<128xi32> to vector<128x1xi32>
    %stack3A_887 = vector.shape_cast %reduce_min3A_757 : vector<128xi32> to vector<128x1xi32>
    %stack3A_888 = vector.shape_cast %reduce_min3A_773 : vector<128xi32> to vector<128x1xi32>
    %stack3A_889 = vector.shape_cast %reduce_min3A_789 : vector<128xi32> to vector<128x1xi32>
    %stack3A_890 = tpu.concatenate %stack3A_840, %stack3A_841, %stack3A_842, %stack3A_843, %stack3A_844, %stack3A_845, %stack3A_846, %stack3A_847, %stack3A_848, %stack3A_849, %stack3A_850, %stack3A_851, %stack3A_852, %stack3A_853, %stack3A_854, %stack3A_855, %stack3A_856, %stack3A_857, %stack3A_858, %stack3A_859, %stack3A_860, %stack3A_861, %stack3A_862, %stack3A_863, %stack3A_864, %stack3A_865, %stack3A_866, %stack3A_867, %stack3A_868, %stack3A_869, %stack3A_870, %stack3A_871, %stack3A_872, %stack3A_873, %stack3A_874, %stack3A_875, %stack3A_876, %stack3A_877, %stack3A_878, %stack3A_879, %stack3A_880, %stack3A_881, %stack3A_882, %stack3A_883, %stack3A_884, %stack3A_885, %stack3A_886, %stack3A_887, %stack3A_888, %stack3A_889 in 1 : vector<128x1xi32>, vector<128x1xi32>, vector<128x1xi32>, vector<128x1xi32>, vector<128x1xi32>, vector<128x1xi32>, vector<128x1xi32>, vector<128x1xi32>, vector<128x1xi32>, vector<128x1xi32>, vector<128x1xi32>, vector<128x1xi32>, vector<128x1xi32>, vector<128x1xi32>, vector<128x1xi32>, vector<128x1xi32>, vector<128x1xi32>, vector<128x1xi32>, vector<128x1xi32>, vector<128x1xi32>, vector<128x1xi32>, vector<128x1xi32>, vector<128x1xi32>, vector<128x1xi32>, vector<128x1xi32>, vector<128x1xi32>, vector<128x1xi32>, vector<128x1xi32>, vector<128x1xi32>, vector<128x1xi32>, vector<128x1xi32>, vector<128x1xi32>, vector<128x1xi32>, vector<128x1xi32>, vector<128x1xi32>, vector<128x1xi32>, vector<128x1xi32>, vector<128x1xi32>, vector<128x1xi32>, vector<128x1xi32>, vector<128x1xi32>, vector<128x1xi32>, vector<128x1xi32>, vector<128x1xi32>, vector<128x1xi32>, vector<128x1xi32>, vector<128x1xi32>, vector<128x1xi32>, vector<128x1xi32>, vector<128x1xi32> -> vector<128x50xi32>
    %mul3A = arith.mulf %stack3A_839, %stack3A_839 : vector<128x50xf32>
    %mul3A_891 = arith.mulf %mul3A, %stack3A_839 : vector<128x50xf32>
    %broadcast_in_dim3A_892 = arith.constant 0.000000e+00 : f32
    %broadcast_in_dim3A_893 = vector.broadcast %broadcast_in_dim3A_892 : f32 to vector<128x14xf32>
    %concatenate3A = tpu.concatenate %mul3A_891, %broadcast_in_dim3A_893 in 1 : vector<128x50xf32>, vector<128x14xf32> -> vector<128x64xf32>
    %broadcast_in_dim3A_894 = arith.constant 0 : i32
    %broadcast_in_dim3A_895 = vector.broadcast %broadcast_in_dim3A_894 : i32 to vector<128x14xi32>
    %concatenate3A_896 = tpu.concatenate %stack3A_890, %broadcast_in_dim3A_895 in 1 : vector<128x50xi32>, vector<128x14xi32> -> vector<128x64xi32>
    %swap3A = arith.constant 0 : index
    %swap3A_897 = arith.constant 0 : index
    %swap3A_898 = vector.load %arg2[%swap3A, %swap3A_897] : memref<128x64xf32, #tpu.memory_space<vmem>>, vector<128x64xf32>
    tpu.vector_store %arg2[%swap3A, %swap3A_897], %concatenate3A {strides = array<i32>} : memref<128x64xf32, #tpu.memory_space<vmem>>, vector<128x64xf32>,
    %swap3A_899 = arith.constant 0 : index
    %swap3A_900 = arith.constant 0 : index
    %swap3A_901 = vector.load %arg3[%swap3A_899, %swap3A_900] : memref<128x64xi32, #tpu.memory_space<vmem>>, vector<128x64xi32>
    tpu.vector_store %arg3[%swap3A_899, %swap3A_900], %concatenate3A_896 {strides = array<i32>} : memref<128x64xi32, #tpu.memory_space<vmem>>, vector<128x64xi32>,
    return
  }
  func.func @transform_0(%arg0: i32) -> (i32, i32) {
    %c0_i32 = arith.constant 0 : i32
    %c0_i32_0 = arith.constant 0 : i32
    return %arg0, %c0_i32 : i32, i32
  }
  func.func @transform_1(%arg0: i32) -> (i32, i32) {
    %c0_i32 = arith.constant 0 : i32
    %c0_i32_0 = arith.constant 0 : i32
    return %arg0, %c0_i32 : i32, i32
  }
  func.func @transform_2(%arg0: i32) -> (i32, i32) {
    %c0_i32 = arith.constant 0 : i32
    %c0_i32_0 = arith.constant 0 : i32
    return %arg0, %c0_i32 : i32, i32
  }
}

module attributes {stable_mosaic.version = 14 : i64} {
  func.func @_bbuild_body(%arg0: i32, %arg1: memref<128x64xf32, #tpu.memory_space<vmem>>, %arg2: memref<128x64xi32, #tpu.memory_space<vmem>>, %arg3: memref<128x4096xf32, #tpu.memory_space<vmem>>) attributes {dimension_semantics = [#tpu.dimension_semantics<arbitrary>], iteration_bounds = array<i64: 32>, scalar_prefetch = 0 : i64, scratch_operands = 0 : i64, tpu.core_type = #tpu.core_type<tc>, window_params = [{transform_indices = @transform_0, window_bounds = array<i64: 128, 64>}, {transform_indices = @transform_1, window_bounds = array<i64: 128, 64>}, {transform_indices = @transform_2, window_bounds = array<i64: 128, 4096>}]} {
    %get3A = arith.constant 0 : index
    %get3A_0 = arith.constant 0 : index
    %get3A_1 = vector.load %arg1[%get3A, %get3A_0] : memref<128x64xf32, #tpu.memory_space<vmem>>, vector<128x64xf32>
    %get3A_2 = arith.constant 0 : index
    %get3A_3 = arith.constant 0 : index
    %get3A_4 = vector.load %arg2[%get3A_2, %get3A_3] : memref<128x64xi32, #tpu.memory_space<vmem>>, vector<128x64xi32>
    %iota3A = tpu.iota {dimensions = array<i32: 1>} : vector<128x4096xi32>
    %broadcast_in_dim3A = arith.constant 0.000000e+00 : f32
    %broadcast_in_dim3A_5 = vector.broadcast %broadcast_in_dim3A : f32 to vector<128x4096xf32>
    %slice3A = vector.extract_strided_slice %get3A_4 {offsets = [0, 0], sizes = [128, 1], strides = [1, 1]} : vector<128x64xi32> to vector<128x1xi32>
    %squeeze3A = vector.shape_cast %slice3A : vector<128x1xi32> to vector<128xi32>
    %broadcast_in_dim3A_6 = vector.shape_cast %squeeze3A : vector<128xi32> to vector<128x1xi32>
    %eq3A = vector.broadcast %broadcast_in_dim3A_6 : vector<128x1xi32> to vector<128x4096xi32>
    %eq3A_7 = arith.cmpi eq, %iota3A, %eq3A : vector<128x4096xi32>
    %slice3A_8 = vector.extract_strided_slice %get3A_1 {offsets = [0, 0], sizes = [128, 1], strides = [1, 1]} : vector<128x64xf32> to vector<128x1xf32>
    %squeeze3A_9 = vector.shape_cast %slice3A_8 : vector<128x1xf32> to vector<128xf32>
    %broadcast_in_dim3A_10 = vector.shape_cast %squeeze3A_9 : vector<128xf32> to vector<128x1xf32>
    %jit3A = arith.constant 0.000000e+00 : f32
    %broadcast_in_dim3A_11 = vector.shape_cast %broadcast_in_dim3A_10 : vector<128x1xf32> to vector<128x1xf32>
    %broadcast_in_dim3A_12 = vector.broadcast %broadcast_in_dim3A_11 : vector<128x1xf32> to vector<128x4096xf32>
    %broadcast_in_dim3A_13 = vector.broadcast %jit3A : f32 to vector<128x4096xf32>
    %select_n3A = arith.select %eq3A_7, %broadcast_in_dim3A_12, %broadcast_in_dim3A_13 : vector<128x4096xi1>, vector<128x4096xf32>
    %add3A = arith.addf %broadcast_in_dim3A_5, %select_n3A : vector<128x4096xf32>
    %slice3A_14 = vector.extract_strided_slice %get3A_4 {offsets = [0, 1], sizes = [128, 1], strides = [1, 1]} : vector<128x64xi32> to vector<128x1xi32>
    %squeeze3A_15 = vector.shape_cast %slice3A_14 : vector<128x1xi32> to vector<128xi32>
    %broadcast_in_dim3A_16 = vector.shape_cast %squeeze3A_15 : vector<128xi32> to vector<128x1xi32>
    %eq3A_17 = vector.broadcast %broadcast_in_dim3A_16 : vector<128x1xi32> to vector<128x4096xi32>
    %eq3A_18 = arith.cmpi eq, %iota3A, %eq3A_17 : vector<128x4096xi32>
    %slice3A_19 = vector.extract_strided_slice %get3A_1 {offsets = [0, 1], sizes = [128, 1], strides = [1, 1]} : vector<128x64xf32> to vector<128x1xf32>
    %squeeze3A_20 = vector.shape_cast %slice3A_19 : vector<128x1xf32> to vector<128xf32>
    %broadcast_in_dim3A_21 = vector.shape_cast %squeeze3A_20 : vector<128xf32> to vector<128x1xf32>
    %jit3A_22 = arith.constant 0.000000e+00 : f32
    %broadcast_in_dim3A_23 = vector.shape_cast %broadcast_in_dim3A_21 : vector<128x1xf32> to vector<128x1xf32>
    %broadcast_in_dim3A_24 = vector.broadcast %broadcast_in_dim3A_23 : vector<128x1xf32> to vector<128x4096xf32>
    %broadcast_in_dim3A_25 = vector.broadcast %jit3A_22 : f32 to vector<128x4096xf32>
    %select_n3A_26 = arith.select %eq3A_18, %broadcast_in_dim3A_24, %broadcast_in_dim3A_25 : vector<128x4096xi1>, vector<128x4096xf32>
    %add3A_27 = arith.addf %add3A, %select_n3A_26 : vector<128x4096xf32>
    %slice3A_28 = vector.extract_strided_slice %get3A_4 {offsets = [0, 2], sizes = [128, 1], strides = [1, 1]} : vector<128x64xi32> to vector<128x1xi32>
    %squeeze3A_29 = vector.shape_cast %slice3A_28 : vector<128x1xi32> to vector<128xi32>
    %broadcast_in_dim3A_30 = vector.shape_cast %squeeze3A_29 : vector<128xi32> to vector<128x1xi32>
    %eq3A_31 = vector.broadcast %broadcast_in_dim3A_30 : vector<128x1xi32> to vector<128x4096xi32>
    %eq3A_32 = arith.cmpi eq, %iota3A, %eq3A_31 : vector<128x4096xi32>
    %slice3A_33 = vector.extract_strided_slice %get3A_1 {offsets = [0, 2], sizes = [128, 1], strides = [1, 1]} : vector<128x64xf32> to vector<128x1xf32>
    %squeeze3A_34 = vector.shape_cast %slice3A_33 : vector<128x1xf32> to vector<128xf32>
    %broadcast_in_dim3A_35 = vector.shape_cast %squeeze3A_34 : vector<128xf32> to vector<128x1xf32>
    %jit3A_36 = arith.constant 0.000000e+00 : f32
    %broadcast_in_dim3A_37 = vector.shape_cast %broadcast_in_dim3A_35 : vector<128x1xf32> to vector<128x1xf32>
    %broadcast_in_dim3A_38 = vector.broadcast %broadcast_in_dim3A_37 : vector<128x1xf32> to vector<128x4096xf32>
    %broadcast_in_dim3A_39 = vector.broadcast %jit3A_36 : f32 to vector<128x4096xf32>
    %select_n3A_40 = arith.select %eq3A_32, %broadcast_in_dim3A_38, %broadcast_in_dim3A_39 : vector<128x4096xi1>, vector<128x4096xf32>
    %add3A_41 = arith.addf %add3A_27, %select_n3A_40 : vector<128x4096xf32>
    %slice3A_42 = vector.extract_strided_slice %get3A_4 {offsets = [0, 3], sizes = [128, 1], strides = [1, 1]} : vector<128x64xi32> to vector<128x1xi32>
    %squeeze3A_43 = vector.shape_cast %slice3A_42 : vector<128x1xi32> to vector<128xi32>
    %broadcast_in_dim3A_44 = vector.shape_cast %squeeze3A_43 : vector<128xi32> to vector<128x1xi32>
    %eq3A_45 = vector.broadcast %broadcast_in_dim3A_44 : vector<128x1xi32> to vector<128x4096xi32>
    %eq3A_46 = arith.cmpi eq, %iota3A, %eq3A_45 : vector<128x4096xi32>
    %slice3A_47 = vector.extract_strided_slice %get3A_1 {offsets = [0, 3], sizes = [128, 1], strides = [1, 1]} : vector<128x64xf32> to vector<128x1xf32>
    %squeeze3A_48 = vector.shape_cast %slice3A_47 : vector<128x1xf32> to vector<128xf32>
    %broadcast_in_dim3A_49 = vector.shape_cast %squeeze3A_48 : vector<128xf32> to vector<128x1xf32>
    %jit3A_50 = arith.constant 0.000000e+00 : f32
    %broadcast_in_dim3A_51 = vector.shape_cast %broadcast_in_dim3A_49 : vector<128x1xf32> to vector<128x1xf32>
    %broadcast_in_dim3A_52 = vector.broadcast %broadcast_in_dim3A_51 : vector<128x1xf32> to vector<128x4096xf32>
    %broadcast_in_dim3A_53 = vector.broadcast %jit3A_50 : f32 to vector<128x4096xf32>
    %select_n3A_54 = arith.select %eq3A_46, %broadcast_in_dim3A_52, %broadcast_in_dim3A_53 : vector<128x4096xi1>, vector<128x4096xf32>
    %add3A_55 = arith.addf %add3A_41, %select_n3A_54 : vector<128x4096xf32>
    %slice3A_56 = vector.extract_strided_slice %get3A_4 {offsets = [0, 4], sizes = [128, 1], strides = [1, 1]} : vector<128x64xi32> to vector<128x1xi32>
    %squeeze3A_57 = vector.shape_cast %slice3A_56 : vector<128x1xi32> to vector<128xi32>
    %broadcast_in_dim3A_58 = vector.shape_cast %squeeze3A_57 : vector<128xi32> to vector<128x1xi32>
    %eq3A_59 = vector.broadcast %broadcast_in_dim3A_58 : vector<128x1xi32> to vector<128x4096xi32>
    %eq3A_60 = arith.cmpi eq, %iota3A, %eq3A_59 : vector<128x4096xi32>
    %slice3A_61 = vector.extract_strided_slice %get3A_1 {offsets = [0, 4], sizes = [128, 1], strides = [1, 1]} : vector<128x64xf32> to vector<128x1xf32>
    %squeeze3A_62 = vector.shape_cast %slice3A_61 : vector<128x1xf32> to vector<128xf32>
    %broadcast_in_dim3A_63 = vector.shape_cast %squeeze3A_62 : vector<128xf32> to vector<128x1xf32>
    %jit3A_64 = arith.constant 0.000000e+00 : f32
    %broadcast_in_dim3A_65 = vector.shape_cast %broadcast_in_dim3A_63 : vector<128x1xf32> to vector<128x1xf32>
    %broadcast_in_dim3A_66 = vector.broadcast %broadcast_in_dim3A_65 : vector<128x1xf32> to vector<128x4096xf32>
    %broadcast_in_dim3A_67 = vector.broadcast %jit3A_64 : f32 to vector<128x4096xf32>
    %select_n3A_68 = arith.select %eq3A_60, %broadcast_in_dim3A_66, %broadcast_in_dim3A_67 : vector<128x4096xi1>, vector<128x4096xf32>
    %add3A_69 = arith.addf %add3A_55, %select_n3A_68 : vector<128x4096xf32>
    %slice3A_70 = vector.extract_strided_slice %get3A_4 {offsets = [0, 5], sizes = [128, 1], strides = [1, 1]} : vector<128x64xi32> to vector<128x1xi32>
    %squeeze3A_71 = vector.shape_cast %slice3A_70 : vector<128x1xi32> to vector<128xi32>
    %broadcast_in_dim3A_72 = vector.shape_cast %squeeze3A_71 : vector<128xi32> to vector<128x1xi32>
    %eq3A_73 = vector.broadcast %broadcast_in_dim3A_72 : vector<128x1xi32> to vector<128x4096xi32>
    %eq3A_74 = arith.cmpi eq, %iota3A, %eq3A_73 : vector<128x4096xi32>
    %slice3A_75 = vector.extract_strided_slice %get3A_1 {offsets = [0, 5], sizes = [128, 1], strides = [1, 1]} : vector<128x64xf32> to vector<128x1xf32>
    %squeeze3A_76 = vector.shape_cast %slice3A_75 : vector<128x1xf32> to vector<128xf32>
    %broadcast_in_dim3A_77 = vector.shape_cast %squeeze3A_76 : vector<128xf32> to vector<128x1xf32>
    %jit3A_78 = arith.constant 0.000000e+00 : f32
    %broadcast_in_dim3A_79 = vector.shape_cast %broadcast_in_dim3A_77 : vector<128x1xf32> to vector<128x1xf32>
    %broadcast_in_dim3A_80 = vector.broadcast %broadcast_in_dim3A_79 : vector<128x1xf32> to vector<128x4096xf32>
    %broadcast_in_dim3A_81 = vector.broadcast %jit3A_78 : f32 to vector<128x4096xf32>
    %select_n3A_82 = arith.select %eq3A_74, %broadcast_in_dim3A_80, %broadcast_in_dim3A_81 : vector<128x4096xi1>, vector<128x4096xf32>
    %add3A_83 = arith.addf %add3A_69, %select_n3A_82 : vector<128x4096xf32>
    %slice3A_84 = vector.extract_strided_slice %get3A_4 {offsets = [0, 6], sizes = [128, 1], strides = [1, 1]} : vector<128x64xi32> to vector<128x1xi32>
    %squeeze3A_85 = vector.shape_cast %slice3A_84 : vector<128x1xi32> to vector<128xi32>
    %broadcast_in_dim3A_86 = vector.shape_cast %squeeze3A_85 : vector<128xi32> to vector<128x1xi32>
    %eq3A_87 = vector.broadcast %broadcast_in_dim3A_86 : vector<128x1xi32> to vector<128x4096xi32>
    %eq3A_88 = arith.cmpi eq, %iota3A, %eq3A_87 : vector<128x4096xi32>
    %slice3A_89 = vector.extract_strided_slice %get3A_1 {offsets = [0, 6], sizes = [128, 1], strides = [1, 1]} : vector<128x64xf32> to vector<128x1xf32>
    %squeeze3A_90 = vector.shape_cast %slice3A_89 : vector<128x1xf32> to vector<128xf32>
    %broadcast_in_dim3A_91 = vector.shape_cast %squeeze3A_90 : vector<128xf32> to vector<128x1xf32>
    %jit3A_92 = arith.constant 0.000000e+00 : f32
    %broadcast_in_dim3A_93 = vector.shape_cast %broadcast_in_dim3A_91 : vector<128x1xf32> to vector<128x1xf32>
    %broadcast_in_dim3A_94 = vector.broadcast %broadcast_in_dim3A_93 : vector<128x1xf32> to vector<128x4096xf32>
    %broadcast_in_dim3A_95 = vector.broadcast %jit3A_92 : f32 to vector<128x4096xf32>
    %select_n3A_96 = arith.select %eq3A_88, %broadcast_in_dim3A_94, %broadcast_in_dim3A_95 : vector<128x4096xi1>, vector<128x4096xf32>
    %add3A_97 = arith.addf %add3A_83, %select_n3A_96 : vector<128x4096xf32>
    %slice3A_98 = vector.extract_strided_slice %get3A_4 {offsets = [0, 7], sizes = [128, 1], strides = [1, 1]} : vector<128x64xi32> to vector<128x1xi32>
    %squeeze3A_99 = vector.shape_cast %slice3A_98 : vector<128x1xi32> to vector<128xi32>
    %broadcast_in_dim3A_100 = vector.shape_cast %squeeze3A_99 : vector<128xi32> to vector<128x1xi32>
    %eq3A_101 = vector.broadcast %broadcast_in_dim3A_100 : vector<128x1xi32> to vector<128x4096xi32>
    %eq3A_102 = arith.cmpi eq, %iota3A, %eq3A_101 : vector<128x4096xi32>
    %slice3A_103 = vector.extract_strided_slice %get3A_1 {offsets = [0, 7], sizes = [128, 1], strides = [1, 1]} : vector<128x64xf32> to vector<128x1xf32>
    %squeeze3A_104 = vector.shape_cast %slice3A_103 : vector<128x1xf32> to vector<128xf32>
    %broadcast_in_dim3A_105 = vector.shape_cast %squeeze3A_104 : vector<128xf32> to vector<128x1xf32>
    %jit3A_106 = arith.constant 0.000000e+00 : f32
    %broadcast_in_dim3A_107 = vector.shape_cast %broadcast_in_dim3A_105 : vector<128x1xf32> to vector<128x1xf32>
    %broadcast_in_dim3A_108 = vector.broadcast %broadcast_in_dim3A_107 : vector<128x1xf32> to vector<128x4096xf32>
    %broadcast_in_dim3A_109 = vector.broadcast %jit3A_106 : f32 to vector<128x4096xf32>
    %select_n3A_110 = arith.select %eq3A_102, %broadcast_in_dim3A_108, %broadcast_in_dim3A_109 : vector<128x4096xi1>, vector<128x4096xf32>
    %add3A_111 = arith.addf %add3A_97, %select_n3A_110 : vector<128x4096xf32>
    %slice3A_112 = vector.extract_strided_slice %get3A_4 {offsets = [0, 8], sizes = [128, 1], strides = [1, 1]} : vector<128x64xi32> to vector<128x1xi32>
    %squeeze3A_113 = vector.shape_cast %slice3A_112 : vector<128x1xi32> to vector<128xi32>
    %broadcast_in_dim3A_114 = vector.shape_cast %squeeze3A_113 : vector<128xi32> to vector<128x1xi32>
    %eq3A_115 = vector.broadcast %broadcast_in_dim3A_114 : vector<128x1xi32> to vector<128x4096xi32>
    %eq3A_116 = arith.cmpi eq, %iota3A, %eq3A_115 : vector<128x4096xi32>
    %slice3A_117 = vector.extract_strided_slice %get3A_1 {offsets = [0, 8], sizes = [128, 1], strides = [1, 1]} : vector<128x64xf32> to vector<128x1xf32>
    %squeeze3A_118 = vector.shape_cast %slice3A_117 : vector<128x1xf32> to vector<128xf32>
    %broadcast_in_dim3A_119 = vector.shape_cast %squeeze3A_118 : vector<128xf32> to vector<128x1xf32>
    %jit3A_120 = arith.constant 0.000000e+00 : f32
    %broadcast_in_dim3A_121 = vector.shape_cast %broadcast_in_dim3A_119 : vector<128x1xf32> to vector<128x1xf32>
    %broadcast_in_dim3A_122 = vector.broadcast %broadcast_in_dim3A_121 : vector<128x1xf32> to vector<128x4096xf32>
    %broadcast_in_dim3A_123 = vector.broadcast %jit3A_120 : f32 to vector<128x4096xf32>
    %select_n3A_124 = arith.select %eq3A_116, %broadcast_in_dim3A_122, %broadcast_in_dim3A_123 : vector<128x4096xi1>, vector<128x4096xf32>
    %add3A_125 = arith.addf %add3A_111, %select_n3A_124 : vector<128x4096xf32>
    %slice3A_126 = vector.extract_strided_slice %get3A_4 {offsets = [0, 9], sizes = [128, 1], strides = [1, 1]} : vector<128x64xi32> to vector<128x1xi32>
    %squeeze3A_127 = vector.shape_cast %slice3A_126 : vector<128x1xi32> to vector<128xi32>
    %broadcast_in_dim3A_128 = vector.shape_cast %squeeze3A_127 : vector<128xi32> to vector<128x1xi32>
    %eq3A_129 = vector.broadcast %broadcast_in_dim3A_128 : vector<128x1xi32> to vector<128x4096xi32>
    %eq3A_130 = arith.cmpi eq, %iota3A, %eq3A_129 : vector<128x4096xi32>
    %slice3A_131 = vector.extract_strided_slice %get3A_1 {offsets = [0, 9], sizes = [128, 1], strides = [1, 1]} : vector<128x64xf32> to vector<128x1xf32>
    %squeeze3A_132 = vector.shape_cast %slice3A_131 : vector<128x1xf32> to vector<128xf32>
    %broadcast_in_dim3A_133 = vector.shape_cast %squeeze3A_132 : vector<128xf32> to vector<128x1xf32>
    %jit3A_134 = arith.constant 0.000000e+00 : f32
    %broadcast_in_dim3A_135 = vector.shape_cast %broadcast_in_dim3A_133 : vector<128x1xf32> to vector<128x1xf32>
    %broadcast_in_dim3A_136 = vector.broadcast %broadcast_in_dim3A_135 : vector<128x1xf32> to vector<128x4096xf32>
    %broadcast_in_dim3A_137 = vector.broadcast %jit3A_134 : f32 to vector<128x4096xf32>
    %select_n3A_138 = arith.select %eq3A_130, %broadcast_in_dim3A_136, %broadcast_in_dim3A_137 : vector<128x4096xi1>, vector<128x4096xf32>
    %add3A_139 = arith.addf %add3A_125, %select_n3A_138 : vector<128x4096xf32>
    %slice3A_140 = vector.extract_strided_slice %get3A_4 {offsets = [0, 10], sizes = [128, 1], strides = [1, 1]} : vector<128x64xi32> to vector<128x1xi32>
    %squeeze3A_141 = vector.shape_cast %slice3A_140 : vector<128x1xi32> to vector<128xi32>
    %broadcast_in_dim3A_142 = vector.shape_cast %squeeze3A_141 : vector<128xi32> to vector<128x1xi32>
    %eq3A_143 = vector.broadcast %broadcast_in_dim3A_142 : vector<128x1xi32> to vector<128x4096xi32>
    %eq3A_144 = arith.cmpi eq, %iota3A, %eq3A_143 : vector<128x4096xi32>
    %slice3A_145 = vector.extract_strided_slice %get3A_1 {offsets = [0, 10], sizes = [128, 1], strides = [1, 1]} : vector<128x64xf32> to vector<128x1xf32>
    %squeeze3A_146 = vector.shape_cast %slice3A_145 : vector<128x1xf32> to vector<128xf32>
    %broadcast_in_dim3A_147 = vector.shape_cast %squeeze3A_146 : vector<128xf32> to vector<128x1xf32>
    %jit3A_148 = arith.constant 0.000000e+00 : f32
    %broadcast_in_dim3A_149 = vector.shape_cast %broadcast_in_dim3A_147 : vector<128x1xf32> to vector<128x1xf32>
    %broadcast_in_dim3A_150 = vector.broadcast %broadcast_in_dim3A_149 : vector<128x1xf32> to vector<128x4096xf32>
    %broadcast_in_dim3A_151 = vector.broadcast %jit3A_148 : f32 to vector<128x4096xf32>
    %select_n3A_152 = arith.select %eq3A_144, %broadcast_in_dim3A_150, %broadcast_in_dim3A_151 : vector<128x4096xi1>, vector<128x4096xf32>
    %add3A_153 = arith.addf %add3A_139, %select_n3A_152 : vector<128x4096xf32>
    %slice3A_154 = vector.extract_strided_slice %get3A_4 {offsets = [0, 11], sizes = [128, 1], strides = [1, 1]} : vector<128x64xi32> to vector<128x1xi32>
    %squeeze3A_155 = vector.shape_cast %slice3A_154 : vector<128x1xi32> to vector<128xi32>
    %broadcast_in_dim3A_156 = vector.shape_cast %squeeze3A_155 : vector<128xi32> to vector<128x1xi32>
    %eq3A_157 = vector.broadcast %broadcast_in_dim3A_156 : vector<128x1xi32> to vector<128x4096xi32>
    %eq3A_158 = arith.cmpi eq, %iota3A, %eq3A_157 : vector<128x4096xi32>
    %slice3A_159 = vector.extract_strided_slice %get3A_1 {offsets = [0, 11], sizes = [128, 1], strides = [1, 1]} : vector<128x64xf32> to vector<128x1xf32>
    %squeeze3A_160 = vector.shape_cast %slice3A_159 : vector<128x1xf32> to vector<128xf32>
    %broadcast_in_dim3A_161 = vector.shape_cast %squeeze3A_160 : vector<128xf32> to vector<128x1xf32>
    %jit3A_162 = arith.constant 0.000000e+00 : f32
    %broadcast_in_dim3A_163 = vector.shape_cast %broadcast_in_dim3A_161 : vector<128x1xf32> to vector<128x1xf32>
    %broadcast_in_dim3A_164 = vector.broadcast %broadcast_in_dim3A_163 : vector<128x1xf32> to vector<128x4096xf32>
    %broadcast_in_dim3A_165 = vector.broadcast %jit3A_162 : f32 to vector<128x4096xf32>
    %select_n3A_166 = arith.select %eq3A_158, %broadcast_in_dim3A_164, %broadcast_in_dim3A_165 : vector<128x4096xi1>, vector<128x4096xf32>
    %add3A_167 = arith.addf %add3A_153, %select_n3A_166 : vector<128x4096xf32>
    %slice3A_168 = vector.extract_strided_slice %get3A_4 {offsets = [0, 12], sizes = [128, 1], strides = [1, 1]} : vector<128x64xi32> to vector<128x1xi32>
    %squeeze3A_169 = vector.shape_cast %slice3A_168 : vector<128x1xi32> to vector<128xi32>
    %broadcast_in_dim3A_170 = vector.shape_cast %squeeze3A_169 : vector<128xi32> to vector<128x1xi32>
    %eq3A_171 = vector.broadcast %broadcast_in_dim3A_170 : vector<128x1xi32> to vector<128x4096xi32>
    %eq3A_172 = arith.cmpi eq, %iota3A, %eq3A_171 : vector<128x4096xi32>
    %slice3A_173 = vector.extract_strided_slice %get3A_1 {offsets = [0, 12], sizes = [128, 1], strides = [1, 1]} : vector<128x64xf32> to vector<128x1xf32>
    %squeeze3A_174 = vector.shape_cast %slice3A_173 : vector<128x1xf32> to vector<128xf32>
    %broadcast_in_dim3A_175 = vector.shape_cast %squeeze3A_174 : vector<128xf32> to vector<128x1xf32>
    %jit3A_176 = arith.constant 0.000000e+00 : f32
    %broadcast_in_dim3A_177 = vector.shape_cast %broadcast_in_dim3A_175 : vector<128x1xf32> to vector<128x1xf32>
    %broadcast_in_dim3A_178 = vector.broadcast %broadcast_in_dim3A_177 : vector<128x1xf32> to vector<128x4096xf32>
    %broadcast_in_dim3A_179 = vector.broadcast %jit3A_176 : f32 to vector<128x4096xf32>
    %select_n3A_180 = arith.select %eq3A_172, %broadcast_in_dim3A_178, %broadcast_in_dim3A_179 : vector<128x4096xi1>, vector<128x4096xf32>
    %add3A_181 = arith.addf %add3A_167, %select_n3A_180 : vector<128x4096xf32>
    %slice3A_182 = vector.extract_strided_slice %get3A_4 {offsets = [0, 13], sizes = [128, 1], strides = [1, 1]} : vector<128x64xi32> to vector<128x1xi32>
    %squeeze3A_183 = vector.shape_cast %slice3A_182 : vector<128x1xi32> to vector<128xi32>
    %broadcast_in_dim3A_184 = vector.shape_cast %squeeze3A_183 : vector<128xi32> to vector<128x1xi32>
    %eq3A_185 = vector.broadcast %broadcast_in_dim3A_184 : vector<128x1xi32> to vector<128x4096xi32>
    %eq3A_186 = arith.cmpi eq, %iota3A, %eq3A_185 : vector<128x4096xi32>
    %slice3A_187 = vector.extract_strided_slice %get3A_1 {offsets = [0, 13], sizes = [128, 1], strides = [1, 1]} : vector<128x64xf32> to vector<128x1xf32>
    %squeeze3A_188 = vector.shape_cast %slice3A_187 : vector<128x1xf32> to vector<128xf32>
    %broadcast_in_dim3A_189 = vector.shape_cast %squeeze3A_188 : vector<128xf32> to vector<128x1xf32>
    %jit3A_190 = arith.constant 0.000000e+00 : f32
    %broadcast_in_dim3A_191 = vector.shape_cast %broadcast_in_dim3A_189 : vector<128x1xf32> to vector<128x1xf32>
    %broadcast_in_dim3A_192 = vector.broadcast %broadcast_in_dim3A_191 : vector<128x1xf32> to vector<128x4096xf32>
    %broadcast_in_dim3A_193 = vector.broadcast %jit3A_190 : f32 to vector<128x4096xf32>
    %select_n3A_194 = arith.select %eq3A_186, %broadcast_in_dim3A_192, %broadcast_in_dim3A_193 : vector<128x4096xi1>, vector<128x4096xf32>
    %add3A_195 = arith.addf %add3A_181, %select_n3A_194 : vector<128x4096xf32>
    %slice3A_196 = vector.extract_strided_slice %get3A_4 {offsets = [0, 14], sizes = [128, 1], strides = [1, 1]} : vector<128x64xi32> to vector<128x1xi32>
    %squeeze3A_197 = vector.shape_cast %slice3A_196 : vector<128x1xi32> to vector<128xi32>
    %broadcast_in_dim3A_198 = vector.shape_cast %squeeze3A_197 : vector<128xi32> to vector<128x1xi32>
    %eq3A_199 = vector.broadcast %broadcast_in_dim3A_198 : vector<128x1xi32> to vector<128x4096xi32>
    %eq3A_200 = arith.cmpi eq, %iota3A, %eq3A_199 : vector<128x4096xi32>
    %slice3A_201 = vector.extract_strided_slice %get3A_1 {offsets = [0, 14], sizes = [128, 1], strides = [1, 1]} : vector<128x64xf32> to vector<128x1xf32>
    %squeeze3A_202 = vector.shape_cast %slice3A_201 : vector<128x1xf32> to vector<128xf32>
    %broadcast_in_dim3A_203 = vector.shape_cast %squeeze3A_202 : vector<128xf32> to vector<128x1xf32>
    %jit3A_204 = arith.constant 0.000000e+00 : f32
    %broadcast_in_dim3A_205 = vector.shape_cast %broadcast_in_dim3A_203 : vector<128x1xf32> to vector<128x1xf32>
    %broadcast_in_dim3A_206 = vector.broadcast %broadcast_in_dim3A_205 : vector<128x1xf32> to vector<128x4096xf32>
    %broadcast_in_dim3A_207 = vector.broadcast %jit3A_204 : f32 to vector<128x4096xf32>
    %select_n3A_208 = arith.select %eq3A_200, %broadcast_in_dim3A_206, %broadcast_in_dim3A_207 : vector<128x4096xi1>, vector<128x4096xf32>
    %add3A_209 = arith.addf %add3A_195, %select_n3A_208 : vector<128x4096xf32>
    %slice3A_210 = vector.extract_strided_slice %get3A_4 {offsets = [0, 15], sizes = [128, 1], strides = [1, 1]} : vector<128x64xi32> to vector<128x1xi32>
    %squeeze3A_211 = vector.shape_cast %slice3A_210 : vector<128x1xi32> to vector<128xi32>
    %broadcast_in_dim3A_212 = vector.shape_cast %squeeze3A_211 : vector<128xi32> to vector<128x1xi32>
    %eq3A_213 = vector.broadcast %broadcast_in_dim3A_212 : vector<128x1xi32> to vector<128x4096xi32>
    %eq3A_214 = arith.cmpi eq, %iota3A, %eq3A_213 : vector<128x4096xi32>
    %slice3A_215 = vector.extract_strided_slice %get3A_1 {offsets = [0, 15], sizes = [128, 1], strides = [1, 1]} : vector<128x64xf32> to vector<128x1xf32>
    %squeeze3A_216 = vector.shape_cast %slice3A_215 : vector<128x1xf32> to vector<128xf32>
    %broadcast_in_dim3A_217 = vector.shape_cast %squeeze3A_216 : vector<128xf32> to vector<128x1xf32>
    %jit3A_218 = arith.constant 0.000000e+00 : f32
    %broadcast_in_dim3A_219 = vector.shape_cast %broadcast_in_dim3A_217 : vector<128x1xf32> to vector<128x1xf32>
    %broadcast_in_dim3A_220 = vector.broadcast %broadcast_in_dim3A_219 : vector<128x1xf32> to vector<128x4096xf32>
    %broadcast_in_dim3A_221 = vector.broadcast %jit3A_218 : f32 to vector<128x4096xf32>
    %select_n3A_222 = arith.select %eq3A_214, %broadcast_in_dim3A_220, %broadcast_in_dim3A_221 : vector<128x4096xi1>, vector<128x4096xf32>
    %add3A_223 = arith.addf %add3A_209, %select_n3A_222 : vector<128x4096xf32>
    %slice3A_224 = vector.extract_strided_slice %get3A_4 {offsets = [0, 16], sizes = [128, 1], strides = [1, 1]} : vector<128x64xi32> to vector<128x1xi32>
    %squeeze3A_225 = vector.shape_cast %slice3A_224 : vector<128x1xi32> to vector<128xi32>
    %broadcast_in_dim3A_226 = vector.shape_cast %squeeze3A_225 : vector<128xi32> to vector<128x1xi32>
    %eq3A_227 = vector.broadcast %broadcast_in_dim3A_226 : vector<128x1xi32> to vector<128x4096xi32>
    %eq3A_228 = arith.cmpi eq, %iota3A, %eq3A_227 : vector<128x4096xi32>
    %slice3A_229 = vector.extract_strided_slice %get3A_1 {offsets = [0, 16], sizes = [128, 1], strides = [1, 1]} : vector<128x64xf32> to vector<128x1xf32>
    %squeeze3A_230 = vector.shape_cast %slice3A_229 : vector<128x1xf32> to vector<128xf32>
    %broadcast_in_dim3A_231 = vector.shape_cast %squeeze3A_230 : vector<128xf32> to vector<128x1xf32>
    %jit3A_232 = arith.constant 0.000000e+00 : f32
    %broadcast_in_dim3A_233 = vector.shape_cast %broadcast_in_dim3A_231 : vector<128x1xf32> to vector<128x1xf32>
    %broadcast_in_dim3A_234 = vector.broadcast %broadcast_in_dim3A_233 : vector<128x1xf32> to vector<128x4096xf32>
    %broadcast_in_dim3A_235 = vector.broadcast %jit3A_232 : f32 to vector<128x4096xf32>
    %select_n3A_236 = arith.select %eq3A_228, %broadcast_in_dim3A_234, %broadcast_in_dim3A_235 : vector<128x4096xi1>, vector<128x4096xf32>
    %add3A_237 = arith.addf %add3A_223, %select_n3A_236 : vector<128x4096xf32>
    %slice3A_238 = vector.extract_strided_slice %get3A_4 {offsets = [0, 17], sizes = [128, 1], strides = [1, 1]} : vector<128x64xi32> to vector<128x1xi32>
    %squeeze3A_239 = vector.shape_cast %slice3A_238 : vector<128x1xi32> to vector<128xi32>
    %broadcast_in_dim3A_240 = vector.shape_cast %squeeze3A_239 : vector<128xi32> to vector<128x1xi32>
    %eq3A_241 = vector.broadcast %broadcast_in_dim3A_240 : vector<128x1xi32> to vector<128x4096xi32>
    %eq3A_242 = arith.cmpi eq, %iota3A, %eq3A_241 : vector<128x4096xi32>
    %slice3A_243 = vector.extract_strided_slice %get3A_1 {offsets = [0, 17], sizes = [128, 1], strides = [1, 1]} : vector<128x64xf32> to vector<128x1xf32>
    %squeeze3A_244 = vector.shape_cast %slice3A_243 : vector<128x1xf32> to vector<128xf32>
    %broadcast_in_dim3A_245 = vector.shape_cast %squeeze3A_244 : vector<128xf32> to vector<128x1xf32>
    %jit3A_246 = arith.constant 0.000000e+00 : f32
    %broadcast_in_dim3A_247 = vector.shape_cast %broadcast_in_dim3A_245 : vector<128x1xf32> to vector<128x1xf32>
    %broadcast_in_dim3A_248 = vector.broadcast %broadcast_in_dim3A_247 : vector<128x1xf32> to vector<128x4096xf32>
    %broadcast_in_dim3A_249 = vector.broadcast %jit3A_246 : f32 to vector<128x4096xf32>
    %select_n3A_250 = arith.select %eq3A_242, %broadcast_in_dim3A_248, %broadcast_in_dim3A_249 : vector<128x4096xi1>, vector<128x4096xf32>
    %add3A_251 = arith.addf %add3A_237, %select_n3A_250 : vector<128x4096xf32>
    %slice3A_252 = vector.extract_strided_slice %get3A_4 {offsets = [0, 18], sizes = [128, 1], strides = [1, 1]} : vector<128x64xi32> to vector<128x1xi32>
    %squeeze3A_253 = vector.shape_cast %slice3A_252 : vector<128x1xi32> to vector<128xi32>
    %broadcast_in_dim3A_254 = vector.shape_cast %squeeze3A_253 : vector<128xi32> to vector<128x1xi32>
    %eq3A_255 = vector.broadcast %broadcast_in_dim3A_254 : vector<128x1xi32> to vector<128x4096xi32>
    %eq3A_256 = arith.cmpi eq, %iota3A, %eq3A_255 : vector<128x4096xi32>
    %slice3A_257 = vector.extract_strided_slice %get3A_1 {offsets = [0, 18], sizes = [128, 1], strides = [1, 1]} : vector<128x64xf32> to vector<128x1xf32>
    %squeeze3A_258 = vector.shape_cast %slice3A_257 : vector<128x1xf32> to vector<128xf32>
    %broadcast_in_dim3A_259 = vector.shape_cast %squeeze3A_258 : vector<128xf32> to vector<128x1xf32>
    %jit3A_260 = arith.constant 0.000000e+00 : f32
    %broadcast_in_dim3A_261 = vector.shape_cast %broadcast_in_dim3A_259 : vector<128x1xf32> to vector<128x1xf32>
    %broadcast_in_dim3A_262 = vector.broadcast %broadcast_in_dim3A_261 : vector<128x1xf32> to vector<128x4096xf32>
    %broadcast_in_dim3A_263 = vector.broadcast %jit3A_260 : f32 to vector<128x4096xf32>
    %select_n3A_264 = arith.select %eq3A_256, %broadcast_in_dim3A_262, %broadcast_in_dim3A_263 : vector<128x4096xi1>, vector<128x4096xf32>
    %add3A_265 = arith.addf %add3A_251, %select_n3A_264 : vector<128x4096xf32>
    %slice3A_266 = vector.extract_strided_slice %get3A_4 {offsets = [0, 19], sizes = [128, 1], strides = [1, 1]} : vector<128x64xi32> to vector<128x1xi32>
    %squeeze3A_267 = vector.shape_cast %slice3A_266 : vector<128x1xi32> to vector<128xi32>
    %broadcast_in_dim3A_268 = vector.shape_cast %squeeze3A_267 : vector<128xi32> to vector<128x1xi32>
    %eq3A_269 = vector.broadcast %broadcast_in_dim3A_268 : vector<128x1xi32> to vector<128x4096xi32>
    %eq3A_270 = arith.cmpi eq, %iota3A, %eq3A_269 : vector<128x4096xi32>
    %slice3A_271 = vector.extract_strided_slice %get3A_1 {offsets = [0, 19], sizes = [128, 1], strides = [1, 1]} : vector<128x64xf32> to vector<128x1xf32>
    %squeeze3A_272 = vector.shape_cast %slice3A_271 : vector<128x1xf32> to vector<128xf32>
    %broadcast_in_dim3A_273 = vector.shape_cast %squeeze3A_272 : vector<128xf32> to vector<128x1xf32>
    %jit3A_274 = arith.constant 0.000000e+00 : f32
    %broadcast_in_dim3A_275 = vector.shape_cast %broadcast_in_dim3A_273 : vector<128x1xf32> to vector<128x1xf32>
    %broadcast_in_dim3A_276 = vector.broadcast %broadcast_in_dim3A_275 : vector<128x1xf32> to vector<128x4096xf32>
    %broadcast_in_dim3A_277 = vector.broadcast %jit3A_274 : f32 to vector<128x4096xf32>
    %select_n3A_278 = arith.select %eq3A_270, %broadcast_in_dim3A_276, %broadcast_in_dim3A_277 : vector<128x4096xi1>, vector<128x4096xf32>
    %add3A_279 = arith.addf %add3A_265, %select_n3A_278 : vector<128x4096xf32>
    %slice3A_280 = vector.extract_strided_slice %get3A_4 {offsets = [0, 20], sizes = [128, 1], strides = [1, 1]} : vector<128x64xi32> to vector<128x1xi32>
    %squeeze3A_281 = vector.shape_cast %slice3A_280 : vector<128x1xi32> to vector<128xi32>
    %broadcast_in_dim3A_282 = vector.shape_cast %squeeze3A_281 : vector<128xi32> to vector<128x1xi32>
    %eq3A_283 = vector.broadcast %broadcast_in_dim3A_282 : vector<128x1xi32> to vector<128x4096xi32>
    %eq3A_284 = arith.cmpi eq, %iota3A, %eq3A_283 : vector<128x4096xi32>
    %slice3A_285 = vector.extract_strided_slice %get3A_1 {offsets = [0, 20], sizes = [128, 1], strides = [1, 1]} : vector<128x64xf32> to vector<128x1xf32>
    %squeeze3A_286 = vector.shape_cast %slice3A_285 : vector<128x1xf32> to vector<128xf32>
    %broadcast_in_dim3A_287 = vector.shape_cast %squeeze3A_286 : vector<128xf32> to vector<128x1xf32>
    %jit3A_288 = arith.constant 0.000000e+00 : f32
    %broadcast_in_dim3A_289 = vector.shape_cast %broadcast_in_dim3A_287 : vector<128x1xf32> to vector<128x1xf32>
    %broadcast_in_dim3A_290 = vector.broadcast %broadcast_in_dim3A_289 : vector<128x1xf32> to vector<128x4096xf32>
    %broadcast_in_dim3A_291 = vector.broadcast %jit3A_288 : f32 to vector<128x4096xf32>
    %select_n3A_292 = arith.select %eq3A_284, %broadcast_in_dim3A_290, %broadcast_in_dim3A_291 : vector<128x4096xi1>, vector<128x4096xf32>
    %add3A_293 = arith.addf %add3A_279, %select_n3A_292 : vector<128x4096xf32>
    %slice3A_294 = vector.extract_strided_slice %get3A_4 {offsets = [0, 21], sizes = [128, 1], strides = [1, 1]} : vector<128x64xi32> to vector<128x1xi32>
    %squeeze3A_295 = vector.shape_cast %slice3A_294 : vector<128x1xi32> to vector<128xi32>
    %broadcast_in_dim3A_296 = vector.shape_cast %squeeze3A_295 : vector<128xi32> to vector<128x1xi32>
    %eq3A_297 = vector.broadcast %broadcast_in_dim3A_296 : vector<128x1xi32> to vector<128x4096xi32>
    %eq3A_298 = arith.cmpi eq, %iota3A, %eq3A_297 : vector<128x4096xi32>
    %slice3A_299 = vector.extract_strided_slice %get3A_1 {offsets = [0, 21], sizes = [128, 1], strides = [1, 1]} : vector<128x64xf32> to vector<128x1xf32>
    %squeeze3A_300 = vector.shape_cast %slice3A_299 : vector<128x1xf32> to vector<128xf32>
    %broadcast_in_dim3A_301 = vector.shape_cast %squeeze3A_300 : vector<128xf32> to vector<128x1xf32>
    %jit3A_302 = arith.constant 0.000000e+00 : f32
    %broadcast_in_dim3A_303 = vector.shape_cast %broadcast_in_dim3A_301 : vector<128x1xf32> to vector<128x1xf32>
    %broadcast_in_dim3A_304 = vector.broadcast %broadcast_in_dim3A_303 : vector<128x1xf32> to vector<128x4096xf32>
    %broadcast_in_dim3A_305 = vector.broadcast %jit3A_302 : f32 to vector<128x4096xf32>
    %select_n3A_306 = arith.select %eq3A_298, %broadcast_in_dim3A_304, %broadcast_in_dim3A_305 : vector<128x4096xi1>, vector<128x4096xf32>
    %add3A_307 = arith.addf %add3A_293, %select_n3A_306 : vector<128x4096xf32>
    %slice3A_308 = vector.extract_strided_slice %get3A_4 {offsets = [0, 22], sizes = [128, 1], strides = [1, 1]} : vector<128x64xi32> to vector<128x1xi32>
    %squeeze3A_309 = vector.shape_cast %slice3A_308 : vector<128x1xi32> to vector<128xi32>
    %broadcast_in_dim3A_310 = vector.shape_cast %squeeze3A_309 : vector<128xi32> to vector<128x1xi32>
    %eq3A_311 = vector.broadcast %broadcast_in_dim3A_310 : vector<128x1xi32> to vector<128x4096xi32>
    %eq3A_312 = arith.cmpi eq, %iota3A, %eq3A_311 : vector<128x4096xi32>
    %slice3A_313 = vector.extract_strided_slice %get3A_1 {offsets = [0, 22], sizes = [128, 1], strides = [1, 1]} : vector<128x64xf32> to vector<128x1xf32>
    %squeeze3A_314 = vector.shape_cast %slice3A_313 : vector<128x1xf32> to vector<128xf32>
    %broadcast_in_dim3A_315 = vector.shape_cast %squeeze3A_314 : vector<128xf32> to vector<128x1xf32>
    %jit3A_316 = arith.constant 0.000000e+00 : f32
    %broadcast_in_dim3A_317 = vector.shape_cast %broadcast_in_dim3A_315 : vector<128x1xf32> to vector<128x1xf32>
    %broadcast_in_dim3A_318 = vector.broadcast %broadcast_in_dim3A_317 : vector<128x1xf32> to vector<128x4096xf32>
    %broadcast_in_dim3A_319 = vector.broadcast %jit3A_316 : f32 to vector<128x4096xf32>
    %select_n3A_320 = arith.select %eq3A_312, %broadcast_in_dim3A_318, %broadcast_in_dim3A_319 : vector<128x4096xi1>, vector<128x4096xf32>
    %add3A_321 = arith.addf %add3A_307, %select_n3A_320 : vector<128x4096xf32>
    %slice3A_322 = vector.extract_strided_slice %get3A_4 {offsets = [0, 23], sizes = [128, 1], strides = [1, 1]} : vector<128x64xi32> to vector<128x1xi32>
    %squeeze3A_323 = vector.shape_cast %slice3A_322 : vector<128x1xi32> to vector<128xi32>
    %broadcast_in_dim3A_324 = vector.shape_cast %squeeze3A_323 : vector<128xi32> to vector<128x1xi32>
    %eq3A_325 = vector.broadcast %broadcast_in_dim3A_324 : vector<128x1xi32> to vector<128x4096xi32>
    %eq3A_326 = arith.cmpi eq, %iota3A, %eq3A_325 : vector<128x4096xi32>
    %slice3A_327 = vector.extract_strided_slice %get3A_1 {offsets = [0, 23], sizes = [128, 1], strides = [1, 1]} : vector<128x64xf32> to vector<128x1xf32>
    %squeeze3A_328 = vector.shape_cast %slice3A_327 : vector<128x1xf32> to vector<128xf32>
    %broadcast_in_dim3A_329 = vector.shape_cast %squeeze3A_328 : vector<128xf32> to vector<128x1xf32>
    %jit3A_330 = arith.constant 0.000000e+00 : f32
    %broadcast_in_dim3A_331 = vector.shape_cast %broadcast_in_dim3A_329 : vector<128x1xf32> to vector<128x1xf32>
    %broadcast_in_dim3A_332 = vector.broadcast %broadcast_in_dim3A_331 : vector<128x1xf32> to vector<128x4096xf32>
    %broadcast_in_dim3A_333 = vector.broadcast %jit3A_330 : f32 to vector<128x4096xf32>
    %select_n3A_334 = arith.select %eq3A_326, %broadcast_in_dim3A_332, %broadcast_in_dim3A_333 : vector<128x4096xi1>, vector<128x4096xf32>
    %add3A_335 = arith.addf %add3A_321, %select_n3A_334 : vector<128x4096xf32>
    %slice3A_336 = vector.extract_strided_slice %get3A_4 {offsets = [0, 24], sizes = [128, 1], strides = [1, 1]} : vector<128x64xi32> to vector<128x1xi32>
    %squeeze3A_337 = vector.shape_cast %slice3A_336 : vector<128x1xi32> to vector<128xi32>
    %broadcast_in_dim3A_338 = vector.shape_cast %squeeze3A_337 : vector<128xi32> to vector<128x1xi32>
    %eq3A_339 = vector.broadcast %broadcast_in_dim3A_338 : vector<128x1xi32> to vector<128x4096xi32>
    %eq3A_340 = arith.cmpi eq, %iota3A, %eq3A_339 : vector<128x4096xi32>
    %slice3A_341 = vector.extract_strided_slice %get3A_1 {offsets = [0, 24], sizes = [128, 1], strides = [1, 1]} : vector<128x64xf32> to vector<128x1xf32>
    %squeeze3A_342 = vector.shape_cast %slice3A_341 : vector<128x1xf32> to vector<128xf32>
    %broadcast_in_dim3A_343 = vector.shape_cast %squeeze3A_342 : vector<128xf32> to vector<128x1xf32>
    %jit3A_344 = arith.constant 0.000000e+00 : f32
    %broadcast_in_dim3A_345 = vector.shape_cast %broadcast_in_dim3A_343 : vector<128x1xf32> to vector<128x1xf32>
    %broadcast_in_dim3A_346 = vector.broadcast %broadcast_in_dim3A_345 : vector<128x1xf32> to vector<128x4096xf32>
    %broadcast_in_dim3A_347 = vector.broadcast %jit3A_344 : f32 to vector<128x4096xf32>
    %select_n3A_348 = arith.select %eq3A_340, %broadcast_in_dim3A_346, %broadcast_in_dim3A_347 : vector<128x4096xi1>, vector<128x4096xf32>
    %add3A_349 = arith.addf %add3A_335, %select_n3A_348 : vector<128x4096xf32>
    %slice3A_350 = vector.extract_strided_slice %get3A_4 {offsets = [0, 25], sizes = [128, 1], strides = [1, 1]} : vector<128x64xi32> to vector<128x1xi32>
    %squeeze3A_351 = vector.shape_cast %slice3A_350 : vector<128x1xi32> to vector<128xi32>
    %broadcast_in_dim3A_352 = vector.shape_cast %squeeze3A_351 : vector<128xi32> to vector<128x1xi32>
    %eq3A_353 = vector.broadcast %broadcast_in_dim3A_352 : vector<128x1xi32> to vector<128x4096xi32>
    %eq3A_354 = arith.cmpi eq, %iota3A, %eq3A_353 : vector<128x4096xi32>
    %slice3A_355 = vector.extract_strided_slice %get3A_1 {offsets = [0, 25], sizes = [128, 1], strides = [1, 1]} : vector<128x64xf32> to vector<128x1xf32>
    %squeeze3A_356 = vector.shape_cast %slice3A_355 : vector<128x1xf32> to vector<128xf32>
    %broadcast_in_dim3A_357 = vector.shape_cast %squeeze3A_356 : vector<128xf32> to vector<128x1xf32>
    %jit3A_358 = arith.constant 0.000000e+00 : f32
    %broadcast_in_dim3A_359 = vector.shape_cast %broadcast_in_dim3A_357 : vector<128x1xf32> to vector<128x1xf32>
    %broadcast_in_dim3A_360 = vector.broadcast %broadcast_in_dim3A_359 : vector<128x1xf32> to vector<128x4096xf32>
    %broadcast_in_dim3A_361 = vector.broadcast %jit3A_358 : f32 to vector<128x4096xf32>
    %select_n3A_362 = arith.select %eq3A_354, %broadcast_in_dim3A_360, %broadcast_in_dim3A_361 : vector<128x4096xi1>, vector<128x4096xf32>
    %add3A_363 = arith.addf %add3A_349, %select_n3A_362 : vector<128x4096xf32>
    %slice3A_364 = vector.extract_strided_slice %get3A_4 {offsets = [0, 26], sizes = [128, 1], strides = [1, 1]} : vector<128x64xi32> to vector<128x1xi32>
    %squeeze3A_365 = vector.shape_cast %slice3A_364 : vector<128x1xi32> to vector<128xi32>
    %broadcast_in_dim3A_366 = vector.shape_cast %squeeze3A_365 : vector<128xi32> to vector<128x1xi32>
    %eq3A_367 = vector.broadcast %broadcast_in_dim3A_366 : vector<128x1xi32> to vector<128x4096xi32>
    %eq3A_368 = arith.cmpi eq, %iota3A, %eq3A_367 : vector<128x4096xi32>
    %slice3A_369 = vector.extract_strided_slice %get3A_1 {offsets = [0, 26], sizes = [128, 1], strides = [1, 1]} : vector<128x64xf32> to vector<128x1xf32>
    %squeeze3A_370 = vector.shape_cast %slice3A_369 : vector<128x1xf32> to vector<128xf32>
    %broadcast_in_dim3A_371 = vector.shape_cast %squeeze3A_370 : vector<128xf32> to vector<128x1xf32>
    %jit3A_372 = arith.constant 0.000000e+00 : f32
    %broadcast_in_dim3A_373 = vector.shape_cast %broadcast_in_dim3A_371 : vector<128x1xf32> to vector<128x1xf32>
    %broadcast_in_dim3A_374 = vector.broadcast %broadcast_in_dim3A_373 : vector<128x1xf32> to vector<128x4096xf32>
    %broadcast_in_dim3A_375 = vector.broadcast %jit3A_372 : f32 to vector<128x4096xf32>
    %select_n3A_376 = arith.select %eq3A_368, %broadcast_in_dim3A_374, %broadcast_in_dim3A_375 : vector<128x4096xi1>, vector<128x4096xf32>
    %add3A_377 = arith.addf %add3A_363, %select_n3A_376 : vector<128x4096xf32>
    %slice3A_378 = vector.extract_strided_slice %get3A_4 {offsets = [0, 27], sizes = [128, 1], strides = [1, 1]} : vector<128x64xi32> to vector<128x1xi32>
    %squeeze3A_379 = vector.shape_cast %slice3A_378 : vector<128x1xi32> to vector<128xi32>
    %broadcast_in_dim3A_380 = vector.shape_cast %squeeze3A_379 : vector<128xi32> to vector<128x1xi32>
    %eq3A_381 = vector.broadcast %broadcast_in_dim3A_380 : vector<128x1xi32> to vector<128x4096xi32>
    %eq3A_382 = arith.cmpi eq, %iota3A, %eq3A_381 : vector<128x4096xi32>
    %slice3A_383 = vector.extract_strided_slice %get3A_1 {offsets = [0, 27], sizes = [128, 1], strides = [1, 1]} : vector<128x64xf32> to vector<128x1xf32>
    %squeeze3A_384 = vector.shape_cast %slice3A_383 : vector<128x1xf32> to vector<128xf32>
    %broadcast_in_dim3A_385 = vector.shape_cast %squeeze3A_384 : vector<128xf32> to vector<128x1xf32>
    %jit3A_386 = arith.constant 0.000000e+00 : f32
    %broadcast_in_dim3A_387 = vector.shape_cast %broadcast_in_dim3A_385 : vector<128x1xf32> to vector<128x1xf32>
    %broadcast_in_dim3A_388 = vector.broadcast %broadcast_in_dim3A_387 : vector<128x1xf32> to vector<128x4096xf32>
    %broadcast_in_dim3A_389 = vector.broadcast %jit3A_386 : f32 to vector<128x4096xf32>
    %select_n3A_390 = arith.select %eq3A_382, %broadcast_in_dim3A_388, %broadcast_in_dim3A_389 : vector<128x4096xi1>, vector<128x4096xf32>
    %add3A_391 = arith.addf %add3A_377, %select_n3A_390 : vector<128x4096xf32>
    %slice3A_392 = vector.extract_strided_slice %get3A_4 {offsets = [0, 28], sizes = [128, 1], strides = [1, 1]} : vector<128x64xi32> to vector<128x1xi32>
    %squeeze3A_393 = vector.shape_cast %slice3A_392 : vector<128x1xi32> to vector<128xi32>
    %broadcast_in_dim3A_394 = vector.shape_cast %squeeze3A_393 : vector<128xi32> to vector<128x1xi32>
    %eq3A_395 = vector.broadcast %broadcast_in_dim3A_394 : vector<128x1xi32> to vector<128x4096xi32>
    %eq3A_396 = arith.cmpi eq, %iota3A, %eq3A_395 : vector<128x4096xi32>
    %slice3A_397 = vector.extract_strided_slice %get3A_1 {offsets = [0, 28], sizes = [128, 1], strides = [1, 1]} : vector<128x64xf32> to vector<128x1xf32>
    %squeeze3A_398 = vector.shape_cast %slice3A_397 : vector<128x1xf32> to vector<128xf32>
    %broadcast_in_dim3A_399 = vector.shape_cast %squeeze3A_398 : vector<128xf32> to vector<128x1xf32>
    %jit3A_400 = arith.constant 0.000000e+00 : f32
    %broadcast_in_dim3A_401 = vector.shape_cast %broadcast_in_dim3A_399 : vector<128x1xf32> to vector<128x1xf32>
    %broadcast_in_dim3A_402 = vector.broadcast %broadcast_in_dim3A_401 : vector<128x1xf32> to vector<128x4096xf32>
    %broadcast_in_dim3A_403 = vector.broadcast %jit3A_400 : f32 to vector<128x4096xf32>
    %select_n3A_404 = arith.select %eq3A_396, %broadcast_in_dim3A_402, %broadcast_in_dim3A_403 : vector<128x4096xi1>, vector<128x4096xf32>
    %add3A_405 = arith.addf %add3A_391, %select_n3A_404 : vector<128x4096xf32>
    %slice3A_406 = vector.extract_strided_slice %get3A_4 {offsets = [0, 29], sizes = [128, 1], strides = [1, 1]} : vector<128x64xi32> to vector<128x1xi32>
    %squeeze3A_407 = vector.shape_cast %slice3A_406 : vector<128x1xi32> to vector<128xi32>
    %broadcast_in_dim3A_408 = vector.shape_cast %squeeze3A_407 : vector<128xi32> to vector<128x1xi32>
    %eq3A_409 = vector.broadcast %broadcast_in_dim3A_408 : vector<128x1xi32> to vector<128x4096xi32>
    %eq3A_410 = arith.cmpi eq, %iota3A, %eq3A_409 : vector<128x4096xi32>
    %slice3A_411 = vector.extract_strided_slice %get3A_1 {offsets = [0, 29], sizes = [128, 1], strides = [1, 1]} : vector<128x64xf32> to vector<128x1xf32>
    %squeeze3A_412 = vector.shape_cast %slice3A_411 : vector<128x1xf32> to vector<128xf32>
    %broadcast_in_dim3A_413 = vector.shape_cast %squeeze3A_412 : vector<128xf32> to vector<128x1xf32>
    %jit3A_414 = arith.constant 0.000000e+00 : f32
    %broadcast_in_dim3A_415 = vector.shape_cast %broadcast_in_dim3A_413 : vector<128x1xf32> to vector<128x1xf32>
    %broadcast_in_dim3A_416 = vector.broadcast %broadcast_in_dim3A_415 : vector<128x1xf32> to vector<128x4096xf32>
    %broadcast_in_dim3A_417 = vector.broadcast %jit3A_414 : f32 to vector<128x4096xf32>
    %select_n3A_418 = arith.select %eq3A_410, %broadcast_in_dim3A_416, %broadcast_in_dim3A_417 : vector<128x4096xi1>, vector<128x4096xf32>
    %add3A_419 = arith.addf %add3A_405, %select_n3A_418 : vector<128x4096xf32>
    %slice3A_420 = vector.extract_strided_slice %get3A_4 {offsets = [0, 30], sizes = [128, 1], strides = [1, 1]} : vector<128x64xi32> to vector<128x1xi32>
    %squeeze3A_421 = vector.shape_cast %slice3A_420 : vector<128x1xi32> to vector<128xi32>
    %broadcast_in_dim3A_422 = vector.shape_cast %squeeze3A_421 : vector<128xi32> to vector<128x1xi32>
    %eq3A_423 = vector.broadcast %broadcast_in_dim3A_422 : vector<128x1xi32> to vector<128x4096xi32>
    %eq3A_424 = arith.cmpi eq, %iota3A, %eq3A_423 : vector<128x4096xi32>
    %slice3A_425 = vector.extract_strided_slice %get3A_1 {offsets = [0, 30], sizes = [128, 1], strides = [1, 1]} : vector<128x64xf32> to vector<128x1xf32>
    %squeeze3A_426 = vector.shape_cast %slice3A_425 : vector<128x1xf32> to vector<128xf32>
    %broadcast_in_dim3A_427 = vector.shape_cast %squeeze3A_426 : vector<128xf32> to vector<128x1xf32>
    %jit3A_428 = arith.constant 0.000000e+00 : f32
    %broadcast_in_dim3A_429 = vector.shape_cast %broadcast_in_dim3A_427 : vector<128x1xf32> to vector<128x1xf32>
    %broadcast_in_dim3A_430 = vector.broadcast %broadcast_in_dim3A_429 : vector<128x1xf32> to vector<128x4096xf32>
    %broadcast_in_dim3A_431 = vector.broadcast %jit3A_428 : f32 to vector<128x4096xf32>
    %select_n3A_432 = arith.select %eq3A_424, %broadcast_in_dim3A_430, %broadcast_in_dim3A_431 : vector<128x4096xi1>, vector<128x4096xf32>
    %add3A_433 = arith.addf %add3A_419, %select_n3A_432 : vector<128x4096xf32>
    %slice3A_434 = vector.extract_strided_slice %get3A_4 {offsets = [0, 31], sizes = [128, 1], strides = [1, 1]} : vector<128x64xi32> to vector<128x1xi32>
    %squeeze3A_435 = vector.shape_cast %slice3A_434 : vector<128x1xi32> to vector<128xi32>
    %broadcast_in_dim3A_436 = vector.shape_cast %squeeze3A_435 : vector<128xi32> to vector<128x1xi32>
    %eq3A_437 = vector.broadcast %broadcast_in_dim3A_436 : vector<128x1xi32> to vector<128x4096xi32>
    %eq3A_438 = arith.cmpi eq, %iota3A, %eq3A_437 : vector<128x4096xi32>
    %slice3A_439 = vector.extract_strided_slice %get3A_1 {offsets = [0, 31], sizes = [128, 1], strides = [1, 1]} : vector<128x64xf32> to vector<128x1xf32>
    %squeeze3A_440 = vector.shape_cast %slice3A_439 : vector<128x1xf32> to vector<128xf32>
    %broadcast_in_dim3A_441 = vector.shape_cast %squeeze3A_440 : vector<128xf32> to vector<128x1xf32>
    %jit3A_442 = arith.constant 0.000000e+00 : f32
    %broadcast_in_dim3A_443 = vector.shape_cast %broadcast_in_dim3A_441 : vector<128x1xf32> to vector<128x1xf32>
    %broadcast_in_dim3A_444 = vector.broadcast %broadcast_in_dim3A_443 : vector<128x1xf32> to vector<128x4096xf32>
    %broadcast_in_dim3A_445 = vector.broadcast %jit3A_442 : f32 to vector<128x4096xf32>
    %select_n3A_446 = arith.select %eq3A_438, %broadcast_in_dim3A_444, %broadcast_in_dim3A_445 : vector<128x4096xi1>, vector<128x4096xf32>
    %add3A_447 = arith.addf %add3A_433, %select_n3A_446 : vector<128x4096xf32>
    %slice3A_448 = vector.extract_strided_slice %get3A_4 {offsets = [0, 32], sizes = [128, 1], strides = [1, 1]} : vector<128x64xi32> to vector<128x1xi32>
    %squeeze3A_449 = vector.shape_cast %slice3A_448 : vector<128x1xi32> to vector<128xi32>
    %broadcast_in_dim3A_450 = vector.shape_cast %squeeze3A_449 : vector<128xi32> to vector<128x1xi32>
    %eq3A_451 = vector.broadcast %broadcast_in_dim3A_450 : vector<128x1xi32> to vector<128x4096xi32>
    %eq3A_452 = arith.cmpi eq, %iota3A, %eq3A_451 : vector<128x4096xi32>
    %slice3A_453 = vector.extract_strided_slice %get3A_1 {offsets = [0, 32], sizes = [128, 1], strides = [1, 1]} : vector<128x64xf32> to vector<128x1xf32>
    %squeeze3A_454 = vector.shape_cast %slice3A_453 : vector<128x1xf32> to vector<128xf32>
    %broadcast_in_dim3A_455 = vector.shape_cast %squeeze3A_454 : vector<128xf32> to vector<128x1xf32>
    %jit3A_456 = arith.constant 0.000000e+00 : f32
    %broadcast_in_dim3A_457 = vector.shape_cast %broadcast_in_dim3A_455 : vector<128x1xf32> to vector<128x1xf32>
    %broadcast_in_dim3A_458 = vector.broadcast %broadcast_in_dim3A_457 : vector<128x1xf32> to vector<128x4096xf32>
    %broadcast_in_dim3A_459 = vector.broadcast %jit3A_456 : f32 to vector<128x4096xf32>
    %select_n3A_460 = arith.select %eq3A_452, %broadcast_in_dim3A_458, %broadcast_in_dim3A_459 : vector<128x4096xi1>, vector<128x4096xf32>
    %add3A_461 = arith.addf %add3A_447, %select_n3A_460 : vector<128x4096xf32>
    %slice3A_462 = vector.extract_strided_slice %get3A_4 {offsets = [0, 33], sizes = [128, 1], strides = [1, 1]} : vector<128x64xi32> to vector<128x1xi32>
    %squeeze3A_463 = vector.shape_cast %slice3A_462 : vector<128x1xi32> to vector<128xi32>
    %broadcast_in_dim3A_464 = vector.shape_cast %squeeze3A_463 : vector<128xi32> to vector<128x1xi32>
    %eq3A_465 = vector.broadcast %broadcast_in_dim3A_464 : vector<128x1xi32> to vector<128x4096xi32>
    %eq3A_466 = arith.cmpi eq, %iota3A, %eq3A_465 : vector<128x4096xi32>
    %slice3A_467 = vector.extract_strided_slice %get3A_1 {offsets = [0, 33], sizes = [128, 1], strides = [1, 1]} : vector<128x64xf32> to vector<128x1xf32>
    %squeeze3A_468 = vector.shape_cast %slice3A_467 : vector<128x1xf32> to vector<128xf32>
    %broadcast_in_dim3A_469 = vector.shape_cast %squeeze3A_468 : vector<128xf32> to vector<128x1xf32>
    %jit3A_470 = arith.constant 0.000000e+00 : f32
    %broadcast_in_dim3A_471 = vector.shape_cast %broadcast_in_dim3A_469 : vector<128x1xf32> to vector<128x1xf32>
    %broadcast_in_dim3A_472 = vector.broadcast %broadcast_in_dim3A_471 : vector<128x1xf32> to vector<128x4096xf32>
    %broadcast_in_dim3A_473 = vector.broadcast %jit3A_470 : f32 to vector<128x4096xf32>
    %select_n3A_474 = arith.select %eq3A_466, %broadcast_in_dim3A_472, %broadcast_in_dim3A_473 : vector<128x4096xi1>, vector<128x4096xf32>
    %add3A_475 = arith.addf %add3A_461, %select_n3A_474 : vector<128x4096xf32>
    %slice3A_476 = vector.extract_strided_slice %get3A_4 {offsets = [0, 34], sizes = [128, 1], strides = [1, 1]} : vector<128x64xi32> to vector<128x1xi32>
    %squeeze3A_477 = vector.shape_cast %slice3A_476 : vector<128x1xi32> to vector<128xi32>
    %broadcast_in_dim3A_478 = vector.shape_cast %squeeze3A_477 : vector<128xi32> to vector<128x1xi32>
    %eq3A_479 = vector.broadcast %broadcast_in_dim3A_478 : vector<128x1xi32> to vector<128x4096xi32>
    %eq3A_480 = arith.cmpi eq, %iota3A, %eq3A_479 : vector<128x4096xi32>
    %slice3A_481 = vector.extract_strided_slice %get3A_1 {offsets = [0, 34], sizes = [128, 1], strides = [1, 1]} : vector<128x64xf32> to vector<128x1xf32>
    %squeeze3A_482 = vector.shape_cast %slice3A_481 : vector<128x1xf32> to vector<128xf32>
    %broadcast_in_dim3A_483 = vector.shape_cast %squeeze3A_482 : vector<128xf32> to vector<128x1xf32>
    %jit3A_484 = arith.constant 0.000000e+00 : f32
    %broadcast_in_dim3A_485 = vector.shape_cast %broadcast_in_dim3A_483 : vector<128x1xf32> to vector<128x1xf32>
    %broadcast_in_dim3A_486 = vector.broadcast %broadcast_in_dim3A_485 : vector<128x1xf32> to vector<128x4096xf32>
    %broadcast_in_dim3A_487 = vector.broadcast %jit3A_484 : f32 to vector<128x4096xf32>
    %select_n3A_488 = arith.select %eq3A_480, %broadcast_in_dim3A_486, %broadcast_in_dim3A_487 : vector<128x4096xi1>, vector<128x4096xf32>
    %add3A_489 = arith.addf %add3A_475, %select_n3A_488 : vector<128x4096xf32>
    %slice3A_490 = vector.extract_strided_slice %get3A_4 {offsets = [0, 35], sizes = [128, 1], strides = [1, 1]} : vector<128x64xi32> to vector<128x1xi32>
    %squeeze3A_491 = vector.shape_cast %slice3A_490 : vector<128x1xi32> to vector<128xi32>
    %broadcast_in_dim3A_492 = vector.shape_cast %squeeze3A_491 : vector<128xi32> to vector<128x1xi32>
    %eq3A_493 = vector.broadcast %broadcast_in_dim3A_492 : vector<128x1xi32> to vector<128x4096xi32>
    %eq3A_494 = arith.cmpi eq, %iota3A, %eq3A_493 : vector<128x4096xi32>
    %slice3A_495 = vector.extract_strided_slice %get3A_1 {offsets = [0, 35], sizes = [128, 1], strides = [1, 1]} : vector<128x64xf32> to vector<128x1xf32>
    %squeeze3A_496 = vector.shape_cast %slice3A_495 : vector<128x1xf32> to vector<128xf32>
    %broadcast_in_dim3A_497 = vector.shape_cast %squeeze3A_496 : vector<128xf32> to vector<128x1xf32>
    %jit3A_498 = arith.constant 0.000000e+00 : f32
    %broadcast_in_dim3A_499 = vector.shape_cast %broadcast_in_dim3A_497 : vector<128x1xf32> to vector<128x1xf32>
    %broadcast_in_dim3A_500 = vector.broadcast %broadcast_in_dim3A_499 : vector<128x1xf32> to vector<128x4096xf32>
    %broadcast_in_dim3A_501 = vector.broadcast %jit3A_498 : f32 to vector<128x4096xf32>
    %select_n3A_502 = arith.select %eq3A_494, %broadcast_in_dim3A_500, %broadcast_in_dim3A_501 : vector<128x4096xi1>, vector<128x4096xf32>
    %add3A_503 = arith.addf %add3A_489, %select_n3A_502 : vector<128x4096xf32>
    %slice3A_504 = vector.extract_strided_slice %get3A_4 {offsets = [0, 36], sizes = [128, 1], strides = [1, 1]} : vector<128x64xi32> to vector<128x1xi32>
    %squeeze3A_505 = vector.shape_cast %slice3A_504 : vector<128x1xi32> to vector<128xi32>
    %broadcast_in_dim3A_506 = vector.shape_cast %squeeze3A_505 : vector<128xi32> to vector<128x1xi32>
    %eq3A_507 = vector.broadcast %broadcast_in_dim3A_506 : vector<128x1xi32> to vector<128x4096xi32>
    %eq3A_508 = arith.cmpi eq, %iota3A, %eq3A_507 : vector<128x4096xi32>
    %slice3A_509 = vector.extract_strided_slice %get3A_1 {offsets = [0, 36], sizes = [128, 1], strides = [1, 1]} : vector<128x64xf32> to vector<128x1xf32>
    %squeeze3A_510 = vector.shape_cast %slice3A_509 : vector<128x1xf32> to vector<128xf32>
    %broadcast_in_dim3A_511 = vector.shape_cast %squeeze3A_510 : vector<128xf32> to vector<128x1xf32>
    %jit3A_512 = arith.constant 0.000000e+00 : f32
    %broadcast_in_dim3A_513 = vector.shape_cast %broadcast_in_dim3A_511 : vector<128x1xf32> to vector<128x1xf32>
    %broadcast_in_dim3A_514 = vector.broadcast %broadcast_in_dim3A_513 : vector<128x1xf32> to vector<128x4096xf32>
    %broadcast_in_dim3A_515 = vector.broadcast %jit3A_512 : f32 to vector<128x4096xf32>
    %select_n3A_516 = arith.select %eq3A_508, %broadcast_in_dim3A_514, %broadcast_in_dim3A_515 : vector<128x4096xi1>, vector<128x4096xf32>
    %add3A_517 = arith.addf %add3A_503, %select_n3A_516 : vector<128x4096xf32>
    %slice3A_518 = vector.extract_strided_slice %get3A_4 {offsets = [0, 37], sizes = [128, 1], strides = [1, 1]} : vector<128x64xi32> to vector<128x1xi32>
    %squeeze3A_519 = vector.shape_cast %slice3A_518 : vector<128x1xi32> to vector<128xi32>
    %broadcast_in_dim3A_520 = vector.shape_cast %squeeze3A_519 : vector<128xi32> to vector<128x1xi32>
    %eq3A_521 = vector.broadcast %broadcast_in_dim3A_520 : vector<128x1xi32> to vector<128x4096xi32>
    %eq3A_522 = arith.cmpi eq, %iota3A, %eq3A_521 : vector<128x4096xi32>
    %slice3A_523 = vector.extract_strided_slice %get3A_1 {offsets = [0, 37], sizes = [128, 1], strides = [1, 1]} : vector<128x64xf32> to vector<128x1xf32>
    %squeeze3A_524 = vector.shape_cast %slice3A_523 : vector<128x1xf32> to vector<128xf32>
    %broadcast_in_dim3A_525 = vector.shape_cast %squeeze3A_524 : vector<128xf32> to vector<128x1xf32>
    %jit3A_526 = arith.constant 0.000000e+00 : f32
    %broadcast_in_dim3A_527 = vector.shape_cast %broadcast_in_dim3A_525 : vector<128x1xf32> to vector<128x1xf32>
    %broadcast_in_dim3A_528 = vector.broadcast %broadcast_in_dim3A_527 : vector<128x1xf32> to vector<128x4096xf32>
    %broadcast_in_dim3A_529 = vector.broadcast %jit3A_526 : f32 to vector<128x4096xf32>
    %select_n3A_530 = arith.select %eq3A_522, %broadcast_in_dim3A_528, %broadcast_in_dim3A_529 : vector<128x4096xi1>, vector<128x4096xf32>
    %add3A_531 = arith.addf %add3A_517, %select_n3A_530 : vector<128x4096xf32>
    %slice3A_532 = vector.extract_strided_slice %get3A_4 {offsets = [0, 38], sizes = [128, 1], strides = [1, 1]} : vector<128x64xi32> to vector<128x1xi32>
    %squeeze3A_533 = vector.shape_cast %slice3A_532 : vector<128x1xi32> to vector<128xi32>
    %broadcast_in_dim3A_534 = vector.shape_cast %squeeze3A_533 : vector<128xi32> to vector<128x1xi32>
    %eq3A_535 = vector.broadcast %broadcast_in_dim3A_534 : vector<128x1xi32> to vector<128x4096xi32>
    %eq3A_536 = arith.cmpi eq, %iota3A, %eq3A_535 : vector<128x4096xi32>
    %slice3A_537 = vector.extract_strided_slice %get3A_1 {offsets = [0, 38], sizes = [128, 1], strides = [1, 1]} : vector<128x64xf32> to vector<128x1xf32>
    %squeeze3A_538 = vector.shape_cast %slice3A_537 : vector<128x1xf32> to vector<128xf32>
    %broadcast_in_dim3A_539 = vector.shape_cast %squeeze3A_538 : vector<128xf32> to vector<128x1xf32>
    %jit3A_540 = arith.constant 0.000000e+00 : f32
    %broadcast_in_dim3A_541 = vector.shape_cast %broadcast_in_dim3A_539 : vector<128x1xf32> to vector<128x1xf32>
    %broadcast_in_dim3A_542 = vector.broadcast %broadcast_in_dim3A_541 : vector<128x1xf32> to vector<128x4096xf32>
    %broadcast_in_dim3A_543 = vector.broadcast %jit3A_540 : f32 to vector<128x4096xf32>
    %select_n3A_544 = arith.select %eq3A_536, %broadcast_in_dim3A_542, %broadcast_in_dim3A_543 : vector<128x4096xi1>, vector<128x4096xf32>
    %add3A_545 = arith.addf %add3A_531, %select_n3A_544 : vector<128x4096xf32>
    %slice3A_546 = vector.extract_strided_slice %get3A_4 {offsets = [0, 39], sizes = [128, 1], strides = [1, 1]} : vector<128x64xi32> to vector<128x1xi32>
    %squeeze3A_547 = vector.shape_cast %slice3A_546 : vector<128x1xi32> to vector<128xi32>
    %broadcast_in_dim3A_548 = vector.shape_cast %squeeze3A_547 : vector<128xi32> to vector<128x1xi32>
    %eq3A_549 = vector.broadcast %broadcast_in_dim3A_548 : vector<128x1xi32> to vector<128x4096xi32>
    %eq3A_550 = arith.cmpi eq, %iota3A, %eq3A_549 : vector<128x4096xi32>
    %slice3A_551 = vector.extract_strided_slice %get3A_1 {offsets = [0, 39], sizes = [128, 1], strides = [1, 1]} : vector<128x64xf32> to vector<128x1xf32>
    %squeeze3A_552 = vector.shape_cast %slice3A_551 : vector<128x1xf32> to vector<128xf32>
    %broadcast_in_dim3A_553 = vector.shape_cast %squeeze3A_552 : vector<128xf32> to vector<128x1xf32>
    %jit3A_554 = arith.constant 0.000000e+00 : f32
    %broadcast_in_dim3A_555 = vector.shape_cast %broadcast_in_dim3A_553 : vector<128x1xf32> to vector<128x1xf32>
    %broadcast_in_dim3A_556 = vector.broadcast %broadcast_in_dim3A_555 : vector<128x1xf32> to vector<128x4096xf32>
    %broadcast_in_dim3A_557 = vector.broadcast %jit3A_554 : f32 to vector<128x4096xf32>
    %select_n3A_558 = arith.select %eq3A_550, %broadcast_in_dim3A_556, %broadcast_in_dim3A_557 : vector<128x4096xi1>, vector<128x4096xf32>
    %add3A_559 = arith.addf %add3A_545, %select_n3A_558 : vector<128x4096xf32>
    %slice3A_560 = vector.extract_strided_slice %get3A_4 {offsets = [0, 40], sizes = [128, 1], strides = [1, 1]} : vector<128x64xi32> to vector<128x1xi32>
    %squeeze3A_561 = vector.shape_cast %slice3A_560 : vector<128x1xi32> to vector<128xi32>
    %broadcast_in_dim3A_562 = vector.shape_cast %squeeze3A_561 : vector<128xi32> to vector<128x1xi32>
    %eq3A_563 = vector.broadcast %broadcast_in_dim3A_562 : vector<128x1xi32> to vector<128x4096xi32>
    %eq3A_564 = arith.cmpi eq, %iota3A, %eq3A_563 : vector<128x4096xi32>
    %slice3A_565 = vector.extract_strided_slice %get3A_1 {offsets = [0, 40], sizes = [128, 1], strides = [1, 1]} : vector<128x64xf32> to vector<128x1xf32>
    %squeeze3A_566 = vector.shape_cast %slice3A_565 : vector<128x1xf32> to vector<128xf32>
    %broadcast_in_dim3A_567 = vector.shape_cast %squeeze3A_566 : vector<128xf32> to vector<128x1xf32>
    %jit3A_568 = arith.constant 0.000000e+00 : f32
    %broadcast_in_dim3A_569 = vector.shape_cast %broadcast_in_dim3A_567 : vector<128x1xf32> to vector<128x1xf32>
    %broadcast_in_dim3A_570 = vector.broadcast %broadcast_in_dim3A_569 : vector<128x1xf32> to vector<128x4096xf32>
    %broadcast_in_dim3A_571 = vector.broadcast %jit3A_568 : f32 to vector<128x4096xf32>
    %select_n3A_572 = arith.select %eq3A_564, %broadcast_in_dim3A_570, %broadcast_in_dim3A_571 : vector<128x4096xi1>, vector<128x4096xf32>
    %add3A_573 = arith.addf %add3A_559, %select_n3A_572 : vector<128x4096xf32>
    %slice3A_574 = vector.extract_strided_slice %get3A_4 {offsets = [0, 41], sizes = [128, 1], strides = [1, 1]} : vector<128x64xi32> to vector<128x1xi32>
    %squeeze3A_575 = vector.shape_cast %slice3A_574 : vector<128x1xi32> to vector<128xi32>
    %broadcast_in_dim3A_576 = vector.shape_cast %squeeze3A_575 : vector<128xi32> to vector<128x1xi32>
    %eq3A_577 = vector.broadcast %broadcast_in_dim3A_576 : vector<128x1xi32> to vector<128x4096xi32>
    %eq3A_578 = arith.cmpi eq, %iota3A, %eq3A_577 : vector<128x4096xi32>
    %slice3A_579 = vector.extract_strided_slice %get3A_1 {offsets = [0, 41], sizes = [128, 1], strides = [1, 1]} : vector<128x64xf32> to vector<128x1xf32>
    %squeeze3A_580 = vector.shape_cast %slice3A_579 : vector<128x1xf32> to vector<128xf32>
    %broadcast_in_dim3A_581 = vector.shape_cast %squeeze3A_580 : vector<128xf32> to vector<128x1xf32>
    %jit3A_582 = arith.constant 0.000000e+00 : f32
    %broadcast_in_dim3A_583 = vector.shape_cast %broadcast_in_dim3A_581 : vector<128x1xf32> to vector<128x1xf32>
    %broadcast_in_dim3A_584 = vector.broadcast %broadcast_in_dim3A_583 : vector<128x1xf32> to vector<128x4096xf32>
    %broadcast_in_dim3A_585 = vector.broadcast %jit3A_582 : f32 to vector<128x4096xf32>
    %select_n3A_586 = arith.select %eq3A_578, %broadcast_in_dim3A_584, %broadcast_in_dim3A_585 : vector<128x4096xi1>, vector<128x4096xf32>
    %add3A_587 = arith.addf %add3A_573, %select_n3A_586 : vector<128x4096xf32>
    %slice3A_588 = vector.extract_strided_slice %get3A_4 {offsets = [0, 42], sizes = [128, 1], strides = [1, 1]} : vector<128x64xi32> to vector<128x1xi32>
    %squeeze3A_589 = vector.shape_cast %slice3A_588 : vector<128x1xi32> to vector<128xi32>
    %broadcast_in_dim3A_590 = vector.shape_cast %squeeze3A_589 : vector<128xi32> to vector<128x1xi32>
    %eq3A_591 = vector.broadcast %broadcast_in_dim3A_590 : vector<128x1xi32> to vector<128x4096xi32>
    %eq3A_592 = arith.cmpi eq, %iota3A, %eq3A_591 : vector<128x4096xi32>
    %slice3A_593 = vector.extract_strided_slice %get3A_1 {offsets = [0, 42], sizes = [128, 1], strides = [1, 1]} : vector<128x64xf32> to vector<128x1xf32>
    %squeeze3A_594 = vector.shape_cast %slice3A_593 : vector<128x1xf32> to vector<128xf32>
    %broadcast_in_dim3A_595 = vector.shape_cast %squeeze3A_594 : vector<128xf32> to vector<128x1xf32>
    %jit3A_596 = arith.constant 0.000000e+00 : f32
    %broadcast_in_dim3A_597 = vector.shape_cast %broadcast_in_dim3A_595 : vector<128x1xf32> to vector<128x1xf32>
    %broadcast_in_dim3A_598 = vector.broadcast %broadcast_in_dim3A_597 : vector<128x1xf32> to vector<128x4096xf32>
    %broadcast_in_dim3A_599 = vector.broadcast %jit3A_596 : f32 to vector<128x4096xf32>
    %select_n3A_600 = arith.select %eq3A_592, %broadcast_in_dim3A_598, %broadcast_in_dim3A_599 : vector<128x4096xi1>, vector<128x4096xf32>
    %add3A_601 = arith.addf %add3A_587, %select_n3A_600 : vector<128x4096xf32>
    %slice3A_602 = vector.extract_strided_slice %get3A_4 {offsets = [0, 43], sizes = [128, 1], strides = [1, 1]} : vector<128x64xi32> to vector<128x1xi32>
    %squeeze3A_603 = vector.shape_cast %slice3A_602 : vector<128x1xi32> to vector<128xi32>
    %broadcast_in_dim3A_604 = vector.shape_cast %squeeze3A_603 : vector<128xi32> to vector<128x1xi32>
    %eq3A_605 = vector.broadcast %broadcast_in_dim3A_604 : vector<128x1xi32> to vector<128x4096xi32>
    %eq3A_606 = arith.cmpi eq, %iota3A, %eq3A_605 : vector<128x4096xi32>
    %slice3A_607 = vector.extract_strided_slice %get3A_1 {offsets = [0, 43], sizes = [128, 1], strides = [1, 1]} : vector<128x64xf32> to vector<128x1xf32>
    %squeeze3A_608 = vector.shape_cast %slice3A_607 : vector<128x1xf32> to vector<128xf32>
    %broadcast_in_dim3A_609 = vector.shape_cast %squeeze3A_608 : vector<128xf32> to vector<128x1xf32>
    %jit3A_610 = arith.constant 0.000000e+00 : f32
    %broadcast_in_dim3A_611 = vector.shape_cast %broadcast_in_dim3A_609 : vector<128x1xf32> to vector<128x1xf32>
    %broadcast_in_dim3A_612 = vector.broadcast %broadcast_in_dim3A_611 : vector<128x1xf32> to vector<128x4096xf32>
    %broadcast_in_dim3A_613 = vector.broadcast %jit3A_610 : f32 to vector<128x4096xf32>
    %select_n3A_614 = arith.select %eq3A_606, %broadcast_in_dim3A_612, %broadcast_in_dim3A_613 : vector<128x4096xi1>, vector<128x4096xf32>
    %add3A_615 = arith.addf %add3A_601, %select_n3A_614 : vector<128x4096xf32>
    %slice3A_616 = vector.extract_strided_slice %get3A_4 {offsets = [0, 44], sizes = [128, 1], strides = [1, 1]} : vector<128x64xi32> to vector<128x1xi32>
    %squeeze3A_617 = vector.shape_cast %slice3A_616 : vector<128x1xi32> to vector<128xi32>
    %broadcast_in_dim3A_618 = vector.shape_cast %squeeze3A_617 : vector<128xi32> to vector<128x1xi32>
    %eq3A_619 = vector.broadcast %broadcast_in_dim3A_618 : vector<128x1xi32> to vector<128x4096xi32>
    %eq3A_620 = arith.cmpi eq, %iota3A, %eq3A_619 : vector<128x4096xi32>
    %slice3A_621 = vector.extract_strided_slice %get3A_1 {offsets = [0, 44], sizes = [128, 1], strides = [1, 1]} : vector<128x64xf32> to vector<128x1xf32>
    %squeeze3A_622 = vector.shape_cast %slice3A_621 : vector<128x1xf32> to vector<128xf32>
    %broadcast_in_dim3A_623 = vector.shape_cast %squeeze3A_622 : vector<128xf32> to vector<128x1xf32>
    %jit3A_624 = arith.constant 0.000000e+00 : f32
    %broadcast_in_dim3A_625 = vector.shape_cast %broadcast_in_dim3A_623 : vector<128x1xf32> to vector<128x1xf32>
    %broadcast_in_dim3A_626 = vector.broadcast %broadcast_in_dim3A_625 : vector<128x1xf32> to vector<128x4096xf32>
    %broadcast_in_dim3A_627 = vector.broadcast %jit3A_624 : f32 to vector<128x4096xf32>
    %select_n3A_628 = arith.select %eq3A_620, %broadcast_in_dim3A_626, %broadcast_in_dim3A_627 : vector<128x4096xi1>, vector<128x4096xf32>
    %add3A_629 = arith.addf %add3A_615, %select_n3A_628 : vector<128x4096xf32>
    %slice3A_630 = vector.extract_strided_slice %get3A_4 {offsets = [0, 45], sizes = [128, 1], strides = [1, 1]} : vector<128x64xi32> to vector<128x1xi32>
    %squeeze3A_631 = vector.shape_cast %slice3A_630 : vector<128x1xi32> to vector<128xi32>
    %broadcast_in_dim3A_632 = vector.shape_cast %squeeze3A_631 : vector<128xi32> to vector<128x1xi32>
    %eq3A_633 = vector.broadcast %broadcast_in_dim3A_632 : vector<128x1xi32> to vector<128x4096xi32>
    %eq3A_634 = arith.cmpi eq, %iota3A, %eq3A_633 : vector<128x4096xi32>
    %slice3A_635 = vector.extract_strided_slice %get3A_1 {offsets = [0, 45], sizes = [128, 1], strides = [1, 1]} : vector<128x64xf32> to vector<128x1xf32>
    %squeeze3A_636 = vector.shape_cast %slice3A_635 : vector<128x1xf32> to vector<128xf32>
    %broadcast_in_dim3A_637 = vector.shape_cast %squeeze3A_636 : vector<128xf32> to vector<128x1xf32>
    %jit3A_638 = arith.constant 0.000000e+00 : f32
    %broadcast_in_dim3A_639 = vector.shape_cast %broadcast_in_dim3A_637 : vector<128x1xf32> to vector<128x1xf32>
    %broadcast_in_dim3A_640 = vector.broadcast %broadcast_in_dim3A_639 : vector<128x1xf32> to vector<128x4096xf32>
    %broadcast_in_dim3A_641 = vector.broadcast %jit3A_638 : f32 to vector<128x4096xf32>
    %select_n3A_642 = arith.select %eq3A_634, %broadcast_in_dim3A_640, %broadcast_in_dim3A_641 : vector<128x4096xi1>, vector<128x4096xf32>
    %add3A_643 = arith.addf %add3A_629, %select_n3A_642 : vector<128x4096xf32>
    %slice3A_644 = vector.extract_strided_slice %get3A_4 {offsets = [0, 46], sizes = [128, 1], strides = [1, 1]} : vector<128x64xi32> to vector<128x1xi32>
    %squeeze3A_645 = vector.shape_cast %slice3A_644 : vector<128x1xi32> to vector<128xi32>
    %broadcast_in_dim3A_646 = vector.shape_cast %squeeze3A_645 : vector<128xi32> to vector<128x1xi32>
    %eq3A_647 = vector.broadcast %broadcast_in_dim3A_646 : vector<128x1xi32> to vector<128x4096xi32>
    %eq3A_648 = arith.cmpi eq, %iota3A, %eq3A_647 : vector<128x4096xi32>
    %slice3A_649 = vector.extract_strided_slice %get3A_1 {offsets = [0, 46], sizes = [128, 1], strides = [1, 1]} : vector<128x64xf32> to vector<128x1xf32>
    %squeeze3A_650 = vector.shape_cast %slice3A_649 : vector<128x1xf32> to vector<128xf32>
    %broadcast_in_dim3A_651 = vector.shape_cast %squeeze3A_650 : vector<128xf32> to vector<128x1xf32>
    %jit3A_652 = arith.constant 0.000000e+00 : f32
    %broadcast_in_dim3A_653 = vector.shape_cast %broadcast_in_dim3A_651 : vector<128x1xf32> to vector<128x1xf32>
    %broadcast_in_dim3A_654 = vector.broadcast %broadcast_in_dim3A_653 : vector<128x1xf32> to vector<128x4096xf32>
    %broadcast_in_dim3A_655 = vector.broadcast %jit3A_652 : f32 to vector<128x4096xf32>
    %select_n3A_656 = arith.select %eq3A_648, %broadcast_in_dim3A_654, %broadcast_in_dim3A_655 : vector<128x4096xi1>, vector<128x4096xf32>
    %add3A_657 = arith.addf %add3A_643, %select_n3A_656 : vector<128x4096xf32>
    %slice3A_658 = vector.extract_strided_slice %get3A_4 {offsets = [0, 47], sizes = [128, 1], strides = [1, 1]} : vector<128x64xi32> to vector<128x1xi32>
    %squeeze3A_659 = vector.shape_cast %slice3A_658 : vector<128x1xi32> to vector<128xi32>
    %broadcast_in_dim3A_660 = vector.shape_cast %squeeze3A_659 : vector<128xi32> to vector<128x1xi32>
    %eq3A_661 = vector.broadcast %broadcast_in_dim3A_660 : vector<128x1xi32> to vector<128x4096xi32>
    %eq3A_662 = arith.cmpi eq, %iota3A, %eq3A_661 : vector<128x4096xi32>
    %slice3A_663 = vector.extract_strided_slice %get3A_1 {offsets = [0, 47], sizes = [128, 1], strides = [1, 1]} : vector<128x64xf32> to vector<128x1xf32>
    %squeeze3A_664 = vector.shape_cast %slice3A_663 : vector<128x1xf32> to vector<128xf32>
    %broadcast_in_dim3A_665 = vector.shape_cast %squeeze3A_664 : vector<128xf32> to vector<128x1xf32>
    %jit3A_666 = arith.constant 0.000000e+00 : f32
    %broadcast_in_dim3A_667 = vector.shape_cast %broadcast_in_dim3A_665 : vector<128x1xf32> to vector<128x1xf32>
    %broadcast_in_dim3A_668 = vector.broadcast %broadcast_in_dim3A_667 : vector<128x1xf32> to vector<128x4096xf32>
    %broadcast_in_dim3A_669 = vector.broadcast %jit3A_666 : f32 to vector<128x4096xf32>
    %select_n3A_670 = arith.select %eq3A_662, %broadcast_in_dim3A_668, %broadcast_in_dim3A_669 : vector<128x4096xi1>, vector<128x4096xf32>
    %add3A_671 = arith.addf %add3A_657, %select_n3A_670 : vector<128x4096xf32>
    %slice3A_672 = vector.extract_strided_slice %get3A_4 {offsets = [0, 48], sizes = [128, 1], strides = [1, 1]} : vector<128x64xi32> to vector<128x1xi32>
    %squeeze3A_673 = vector.shape_cast %slice3A_672 : vector<128x1xi32> to vector<128xi32>
    %broadcast_in_dim3A_674 = vector.shape_cast %squeeze3A_673 : vector<128xi32> to vector<128x1xi32>
    %eq3A_675 = vector.broadcast %broadcast_in_dim3A_674 : vector<128x1xi32> to vector<128x4096xi32>
    %eq3A_676 = arith.cmpi eq, %iota3A, %eq3A_675 : vector<128x4096xi32>
    %slice3A_677 = vector.extract_strided_slice %get3A_1 {offsets = [0, 48], sizes = [128, 1], strides = [1, 1]} : vector<128x64xf32> to vector<128x1xf32>
    %squeeze3A_678 = vector.shape_cast %slice3A_677 : vector<128x1xf32> to vector<128xf32>
    %broadcast_in_dim3A_679 = vector.shape_cast %squeeze3A_678 : vector<128xf32> to vector<128x1xf32>
    %jit3A_680 = arith.constant 0.000000e+00 : f32
    %broadcast_in_dim3A_681 = vector.shape_cast %broadcast_in_dim3A_679 : vector<128x1xf32> to vector<128x1xf32>
    %broadcast_in_dim3A_682 = vector.broadcast %broadcast_in_dim3A_681 : vector<128x1xf32> to vector<128x4096xf32>
    %broadcast_in_dim3A_683 = vector.broadcast %jit3A_680 : f32 to vector<128x4096xf32>
    %select_n3A_684 = arith.select %eq3A_676, %broadcast_in_dim3A_682, %broadcast_in_dim3A_683 : vector<128x4096xi1>, vector<128x4096xf32>
    %add3A_685 = arith.addf %add3A_671, %select_n3A_684 : vector<128x4096xf32>
    %slice3A_686 = vector.extract_strided_slice %get3A_4 {offsets = [0, 49], sizes = [128, 1], strides = [1, 1]} : vector<128x64xi32> to vector<128x1xi32>
    %squeeze3A_687 = vector.shape_cast %slice3A_686 : vector<128x1xi32> to vector<128xi32>
    %broadcast_in_dim3A_688 = vector.shape_cast %squeeze3A_687 : vector<128xi32> to vector<128x1xi32>
    %eq3A_689 = vector.broadcast %broadcast_in_dim3A_688 : vector<128x1xi32> to vector<128x4096xi32>
    %eq3A_690 = arith.cmpi eq, %iota3A, %eq3A_689 : vector<128x4096xi32>
    %slice3A_691 = vector.extract_strided_slice %get3A_1 {offsets = [0, 49], sizes = [128, 1], strides = [1, 1]} : vector<128x64xf32> to vector<128x1xf32>
    %squeeze3A_692 = vector.shape_cast %slice3A_691 : vector<128x1xf32> to vector<128xf32>
    %broadcast_in_dim3A_693 = vector.shape_cast %squeeze3A_692 : vector<128xf32> to vector<128x1xf32>
    %jit3A_694 = arith.constant 0.000000e+00 : f32
    %broadcast_in_dim3A_695 = vector.shape_cast %broadcast_in_dim3A_693 : vector<128x1xf32> to vector<128x1xf32>
    %broadcast_in_dim3A_696 = vector.broadcast %broadcast_in_dim3A_695 : vector<128x1xf32> to vector<128x4096xf32>
    %broadcast_in_dim3A_697 = vector.broadcast %jit3A_694 : f32 to vector<128x4096xf32>
    %select_n3A_698 = arith.select %eq3A_690, %broadcast_in_dim3A_696, %broadcast_in_dim3A_697 : vector<128x4096xi1>, vector<128x4096xf32>
    %add3A_699 = arith.addf %add3A_685, %select_n3A_698 : vector<128x4096xf32>
    %swap3A = arith.constant 0 : index
    %swap3A_700 = arith.constant 0 : index
    %swap3A_701 = vector.load %arg3[%swap3A, %swap3A_700] : memref<128x4096xf32, #tpu.memory_space<vmem>>, vector<128x4096xf32>
    tpu.vector_store %arg3[%swap3A, %swap3A_700], %add3A_699 {strides = array<i32>} : memref<128x4096xf32, #tpu.memory_space<vmem>>, vector<128x4096xf32>,
    return
  }
  func.func @transform_0(%arg0: i32) -> (i32, i32) {
    %c0_i32 = arith.constant 0 : i32
    %c0_i32_0 = arith.constant 0 : i32
    return %arg0, %c0_i32 : i32, i32
  }
  func.func @transform_1(%arg0: i32) -> (i32, i32) {
    %c0_i32 = arith.constant 0 : i32
    %c0_i32_0 = arith.constant 0 : i32
    return %arg0, %c0_i32 : i32, i32
  }
  func.func @transform_2(%arg0: i32) -> (i32, i32) {
    %c0_i32 = arith.constant 0 : i32
    %c0_i32_0 = arith.constant 0 : i32
    return %arg0, %c0_i32 : i32, i32
  }
}

module attributes {stable_mosaic.version = 14 : i64} {
  func.func @_wbuild_body(%arg0: i32, %arg1: i32, %arg2: memref<128x128xf32, #tpu.memory_space<vmem>>, %arg3: memref<128x128xf32, #tpu.memory_space<vmem>>, %arg4: memref<128x128xf32, #tpu.memory_space<vmem>>) attributes {dimension_semantics = [#tpu.dimension_semantics<arbitrary>, #tpu.dimension_semantics<arbitrary>], iteration_bounds = array<i64: 32, 32>, scalar_prefetch = 0 : i64, scratch_operands = 0 : i64, tpu.core_type = #tpu.core_type<tc>, window_params = [{transform_indices = @transform_0, window_bounds = array<i64: 128, 128>}, {transform_indices = @transform_1, window_bounds = array<i64: 128, 128>}, {transform_indices = @transform_2, window_bounds = array<i64: 128, 128>}]} {
    %get3A = arith.constant 0 : index
    %get3A_0 = arith.constant 0 : index
    %get3A_1 = vector.load %arg2[%get3A, %get3A_0] : memref<128x128xf32, #tpu.memory_space<vmem>>, vector<128x128xf32>
    %get3A_2 = arith.constant 0 : index
    %get3A_3 = arith.constant 0 : index
    %get3A_4 = vector.load %arg3[%get3A_2, %get3A_3] : memref<128x128xf32, #tpu.memory_space<vmem>>, vector<128x128xf32>
    %transpose3A = tpu.transpose %get3A_4, [1, 0] : vector<128x128xf32> -> vector<128x128xf32>
    %add3A = arith.addf %get3A_1, %transpose3A : vector<128x128xf32>
    %swap3A = arith.constant 0 : index
    %swap3A_5 = arith.constant 0 : index
    %swap3A_6 = vector.load %arg4[%swap3A, %swap3A_5] : memref<128x128xf32, #tpu.memory_space<vmem>>, vector<128x128xf32>
    tpu.vector_store %arg4[%swap3A, %swap3A_5], %add3A {strides = array<i32>} : memref<128x128xf32, #tpu.memory_space<vmem>>, vector<128x128xf32>,
    return
  }
  func.func @transform_0(%arg0: i32, %arg1: i32) -> (i32, i32) {
    %c0_i32 = arith.constant 0 : i32
    return %arg0, %arg1 : i32, i32
  }
  func.func @transform_1(%arg0: i32, %arg1: i32) -> (i32, i32) {
    %c0_i32 = arith.constant 0 : i32
    return %arg1, %arg0 : i32, i32
  }
  func.func @transform_2(%arg0: i32, %arg1: i32) -> (i32, i32) {
    %c0_i32 = arith.constant 0 : i32
    return %arg0, %arg1 : i32, i32
  }
}

module attributes {stable_mosaic.version = 14 : i64} {
  func.func @_abuild_body(%arg0: i32, %arg1: i32, %arg2: memref<128x128xf32, #tpu.memory_space<vmem>>, %arg3: memref<128x1xf32, #tpu.memory_space<vmem>>, %arg4: memref<1x128xf32, #tpu.memory_space<vmem>>, %arg5: memref<128x128xf32, #tpu.memory_space<vmem>>) attributes {dimension_semantics = [#tpu.dimension_semantics<arbitrary>, #tpu.dimension_semantics<arbitrary>], iteration_bounds = array<i64: 32, 32>, scalar_prefetch = 0 : i64, scratch_operands = 0 : i64, tpu.core_type = #tpu.core_type<tc>, window_params = [{transform_indices = @transform_0, window_bounds = array<i64: 128, 128>}, {transform_indices = @transform_1, window_bounds = array<i64: 128, 1>}, {transform_indices = @transform_2, window_bounds = array<i64: 1, 128>}, {transform_indices = @transform_3, window_bounds = array<i64: 128, 128>}]} {
    %get3A = arith.constant 0 : index
    %get3A_0 = arith.constant 0 : index
    %get3A_1 = vector.load %arg3[%get3A, %get3A_0] : memref<128x1xf32, #tpu.memory_space<vmem>>, vector<128x1xf32>
    %get3A_2 = arith.constant 0 : index
    %get3A_3 = arith.constant 0 : index
    %get3A_4 = vector.load %arg2[%get3A_2, %get3A_3] : memref<128x128xf32, #tpu.memory_space<vmem>>, vector<128x128xf32>
    %mul3A = vector.broadcast %get3A_1 : vector<128x1xf32> to vector<128x128xf32>
    %mul3A_5 = arith.mulf %mul3A, %get3A_4 : vector<128x128xf32>
    %get3A_6 = arith.constant 0 : index
    %get3A_7 = arith.constant 0 : index
    %get3A_8 = vector.load %arg4[%get3A_6, %get3A_7] : memref<1x128xf32, #tpu.memory_space<vmem>>, vector<1x128xf32>
    %mul3A_9 = vector.broadcast %get3A_8 : vector<1x128xf32> to vector<128x128xf32>
    %mul3A_10 = arith.mulf %mul3A_5, %mul3A_9 : vector<128x128xf32>
    %iota3A = tpu.iota {dimensions = array<i32: 0>} : vector<128x128xi32>
    %iota3A_11 = tpu.iota {dimensions = array<i32: 1>} : vector<128x128xi32>
    %eq3A = arith.cmpi eq, %iota3A, %iota3A_11 : vector<128x128xi32>
    %eq3A_12 = arith.cmpi eq, %arg0, %arg1 : i32
    %and3A = vector.broadcast %eq3A_12 : i1 to vector<128x128xi1>
    %and3A_13 = arith.andi %eq3A, %and3A : vector<128x128xi1>
    %jit3A = arith.constant 1.000000e+00 : f32
    %jit3A_14 = arith.constant 0.000000e+00 : f32
    %broadcast_in_dim3A = vector.broadcast %jit3A : f32 to vector<128x128xf32>
    %broadcast_in_dim3A_15 = vector.broadcast %jit3A_14 : f32 to vector<128x128xf32>
    %select_n3A = arith.select %and3A_13, %broadcast_in_dim3A, %broadcast_in_dim3A_15 : vector<128x128xi1>, vector<128x128xf32>
    %mul3A_16 = arith.constant 9.900000e-01 : f32
    %mul3A_17 = vector.broadcast %mul3A_16 : f32 to vector<128x128xf32>
    %mul3A_18 = arith.mulf %mul3A_17, %mul3A_10 : vector<128x128xf32>
    %sub3A = arith.subf %select_n3A, %mul3A_18 : vector<128x128xf32>
    %swap3A = arith.constant 0 : index
    %swap3A_19 = arith.constant 0 : index
    %swap3A_20 = vector.load %arg5[%swap3A, %swap3A_19] : memref<128x128xf32, #tpu.memory_space<vmem>>, vector<128x128xf32>
    tpu.vector_store %arg5[%swap3A, %swap3A_19], %sub3A {strides = array<i32>} : memref<128x128xf32, #tpu.memory_space<vmem>>, vector<128x128xf32>,
    return
  }
  func.func @transform_0(%arg0: i32, %arg1: i32) -> (i32, i32) {
    %c0_i32 = arith.constant 0 : i32
    return %arg0, %arg1 : i32, i32
  }
  func.func @transform_1(%arg0: i32, %arg1: i32) -> (i32, i32) {
    %c0_i32 = arith.constant 0 : i32
    %c0_i32_0 = arith.constant 0 : i32
    return %arg0, %c0_i32 : i32, i32
  }
  func.func @transform_2(%arg0: i32, %arg1: i32) -> (i32, i32) {
    %c0_i32 = arith.constant 0 : i32
    %c0_i32_0 = arith.constant 0 : i32
    return %c0_i32, %arg1 : i32, i32
  }
  func.func @transform_3(%arg0: i32, %arg1: i32) -> (i32, i32) {
    %c0_i32 = arith.constant 0 : i32
    return %arg0, %arg1 : i32, i32
  }
}

</mosaic_0001>

<sc_bundles>
// kernel: gather_offload_async_start
scs
__scs_entry_jumppad:
0x0: {  	(pc) =	sbr.rel $0x88, $3  }
0x1: {  	(tag) =	ssettag $0x0;
	lr =	simm.s32 $0x1  }
0x2: {  	[smem:$0x3F9D] =	sst lr;
	_ =	strace $0xD0000000  }
0x3: {  	_ = 	snop  }
0x4: {  	_ = 	snop  }
0x5: {  	_ = 	snop  }
0x6: {  	_ = 	snop  }
0x7: {  	_ = 	snop  }
__scs_overlays_trampoline_lowered:
0x8: {  	[smem:$0x3FAC] =	sst s0  }
0x9: {  	[smem:$0x3FAD] =	sst s1  }
0xa: {  	[smem:$0x3FAE] =	sst s2  }
0xb: {  	[smem:$0x3FAF] =	sst s3  }
0xc: {  	[smem:$0x3FB0] =	sst s4  }
0xd: {  	[smem:$0x3FB1] =	sst s5  }
0xe: {  	[smem:$0x3FB2] =	sst s6  }
0xf: {  	[smem:$0x3FB3] =	sst s7  }
0x10: {  	[smem:$0x3FB4] =	sst s8  }
0x11: {  	[smem:$0x3FB5] =	sst s9;
	s0 =	simm.s32 @!p0 $0x0  }
0x12: {  	s1 =	sld [smem:$0x3F9B];
	s0 =	simm.s32 @p0 $0x1  }
0x13: {  	[smem:$0x3FB6] =	sst s0;
	s0 =	simm.s32 @!p1 $0x0  }
0x14: {  	s2 =	sld [smem:$0x3F9A];
	s0 =	simm.s32 @p1 $0x1  }
0x15: {  	[smem:$0x3FB7] =	sst s0;
	s0 =	simm.s32 @!p2 $0x0  }
0x16: {  	s3 =	sld [smem:$0x3FDB];
	s0 =	simm.s32 @p2 $0x1  }
0x17: {  	s4 =	simm.s32 $0x1BF5;
	[smem:$0x3FB9] =	sst s0  }
0x18: {  	s0 =	sld [smem:$0x3F9C];
	_ =	swait.ge [sflag:s4], $0x0  }
0x19: {  	s7 =	sld [smem:$0x3F9D]  }
0x1a: {  	s8 =	sadd.s32 $0xFFFFE003, lr  }
0x1b: {  	s9 =	sadd.s32 $0xFFFFFEF7, lr;
	s5 =	simm.s32 $0xFFFFFFFF;
	p2 =	slt.u32 s8, $0xFFFFF086  }
0x1c: {  	p1 =	slt.u32 s9, $0xF7A;
	s5 =	simm.s32 @!p2 $0x0  }
0x1d: {  	s5 =	simm.s32 @p1 $0x1;
	p0 =	seq.s32 s7, s2  }
0x1e: {  	s7 =	smul.u32 @!p0 $0xF7A, s2;
	p2 =	seq.s32 @!p0 s5, $0x0  }
0x1f: {  	s9 =	smul.u32 $0xF7A, s1;
	s8 =	simm.s32 @!p0 $0x1BF5;
	p2 =	por !p2, p0  }
0x20: {  	[sflag:s8] =	ssyncset.s32 @!p0 $0xFFFFF086;
	s6 =	sadd.s32 @!p0 s3, s7;
	s7 =	simm.s32 @!p0 $0x108  }
0x21: {  	s3 =	sadd.s32 s3, s9;
	s6 =	sadd.s32 @!p0 $0x88, s6;
	s7 =	simm.s32 @p2 $0x1082  }
0x22: {  	[simem:s7], [sflag:s8] =	dma.local @!p0 [hbm:s6], $0xF7A  }
0x23: {  	s9 =	sor.u32 $0xD0000000, s2;
	s6 =	simm.s32 $0x108;
	_ =	swait.ge @!p0 [sflag:s8], $0x0  }
0x24: {  	s3 =	sadd.s32 $0x88, s3;
	s6 =	simm.s32 @!p1 $0x1082;
	[sflag:s4] =	ssyncset.s32 $0xFFFFF086  }
0x25: {  	[simem:s6], [sflag:s4] =	dma.local [hbm:s3], $0xF7A  }
0x26: {  	[smem:$0x3F9D] =	sst s1;
	(tag) =	ssettag s2;
	_ =	strace s9  }
0x27: {  	s1 =	sld [smem:$0x3FAD]  }
0x28: {  	s2 =	sld [smem:$0x3FAE]  }
0x29: {  	s4 =	sld [smem:$0x3FB0]  }
0x2a: {  	p0 =	seq.s32 s5, $0x0;
	s5 =	sld [smem:$0x3FB1]  }
0x2b: {  	s6 =	sld [smem:$0x3FB2]  }
0x2c: {  	s7 =	sld [smem:$0x3FB3]  }
0x2d: {  	s3 =	simm.s32 $0x108;
	s8 =	sld [smem:$0x3FB4]  }
0x2e: {  	s3 =	simm.s32 @!p0 $0x1082;
	s9 =	sld [smem:$0x3FB5]  }
0x2f: {  	lr =	sadd.s32 s0, s3;
	s0 =	sld [smem:$0x3FAC]  }
0x30: {  	s3 =	sld [smem:$0x3FAF]  }
0x31: {  	[smem:$0x3FB8] =	sst s10  }
0x32: {  	s10 =	sld [smem:$0x3FB6];
	_ =	sdelay $0x3  }
0x33: {  	p0 =	seq.s32 s10, $0x1;
	s10 =	sld [smem:$0x3FB8];
	_ =	sdelay $0x3  }
0x34: {  	[smem:$0x3FB8] =	sst s10  }
0x35: {  	s10 =	sld [smem:$0x3FB7];
	_ =	sdelay $0x3  }
0x36: {  	p1 =	seq.s32 s10, $0x1;
	s10 =	sld [smem:$0x3FB8];
	_ =	sdelay $0x3  }
0x37: {  	[smem:$0x3FB8] =	sst s10  }
0x38: {  	s10 =	sld [smem:$0x3FB9]  }
0x39: {  	_ = 	snop;
	(pc) =	sbr.ind lr, $3  }
0x3a: {  	_ = 	snop  }
0x3b: {  	_ = 	snop  }
0x3c: {  	p2 =	seq.s32 s10, $0x1;
	s10 =	sld [smem:$0x3FB8]  }
0x3d: {  	_ =	shalt  }
0x3e: {  	_ =	shalt  }
0x3f: {  	_ =	shalt  }
0x40: {  	_ =	shalt  }
0x41: {  	_ =	shalt  }
0x42: {  	_ =	shalt  }
0x43: {  	_ =	shalt  }
0x44: {  	_ =	shalt  }
0x45: {  	_ =	shalt  }
0x46: {  	_ =	shalt  }
0x47: {  	_ =	shalt  }
0x48: {  	_ =	shalt  }
0x49: {  	_ =	shalt  }
0x4a: {  	_ =	shalt  }
0x4b: {  	_ =	shalt  }
0x4c: {  	_ =	shalt  }
0x4d: {  	_ =	shalt  }
0x4e: {  	_ =	shalt  }
0x4f: {  	_ =	shalt  }
0x50: {  	_ =	shalt  }
0x51: {  	_ =	shalt  }
0x52: {  	_ =	shalt  }
0x53: {  	_ =	shalt  }
0x54: {  	_ =	shalt  }
0x55: {  	_ =	shalt  }
0x56: {  	_ =	shalt  }
0x57: {  	_ =	shalt  }
0x58: {  	_ =	shalt  }
0x59: {  	_ =	shalt  }
0x5a: {  	_ =	shalt  }
0x5b: {  	_ =	shalt  }
0x5c: {  	_ =	shalt  }
0x5d: {  	_ =	shalt  }
0x5e: {  	_ =	shalt  }
0x5f: {  	_ =	shalt  }
0x60: {  	_ =	shalt  }
0x61: {  	_ =	shalt  }
0x62: {  	_ =	shalt  }
0x63: {  	_ =	shalt  }
0x64: {  	_ =	shalt  }
0x65: {  	_ =	shalt  }
0x66: {  	_ =	shalt  }
0x67: {  	_ =	shalt  }
0x68: {  	_ =	shalt  }
0x69: {  	_ =	shalt  }
0x6a: {  	_ =	shalt  }
0x6b: {  	_ =	shalt  }
0x6c: {  	_ =	shalt  }
0x6d: {  	_ =	shalt  }
0x6e: {  	_ =	shalt  }
0x6f: {  	_ =	shalt  }
0x70: {  	_ =	shalt  }
0x71: {  	_ =	shalt  }
0x72: {  	_ =	shalt  }
0x73: {  	_ =	shalt  }
0x74: {  	_ =	shalt  }
0x75: {  	_ =	shalt  }
0x76: {  	_ =	shalt  }
0x77: {  	_ =	shalt  }
0x78: {  	_ =	shalt  }
0x79: {  	_ =	shalt  }
0x7a: {  	_ =	shalt  }
0x7b: {  	_ =	shalt  }
0x7c: {  	_ =	shalt  }
0x7d: {  	_ =	shalt  }
0x7e: {  	_ =	shalt  }
0x7f: {  	_ =	shalt  }
0x80: {  	_ =	shalt  }
0x81: {  	_ =	shalt  }
0x82: {  	_ =	shalt  }
0x83: {  	_ =	shalt  }
0x84: {  	_ =	shalt  }
0x85: {  	_ =	shalt  }
0x86: {  	_ =	shalt  }
0x87: {  	_ =	shalt  }
.Lfunc_end0:
.L_simem_size_0:
called_computation_lowered:
.L_overlay_start_0:
0x88: {  	s2 =	sld [smem:$0x3FD9]  }
0x89: {  	s3 =	sld [smem:$0x3FFE];
	_ =	sdelay $0x1  }
0x8a: {  	s1 =	srdreg.scid  }
0x8b: {  	s0 =	sand.u32 $0x1, s1  }
0x8c: {  	s14 =	sshll.u32 s0, $0xA;
	s2 =	sadd.s32 s3, s2  }
0x8d: {  	s2 =	sadd.s32 s2, s14  }
0x8e: {  	[smem:$0x3FC4] =	sst s2  }
0x8f: {  	_ = 	snop  }
0x90: {  	s2 =	sld [smem:$0x3FD0];
	_ =	sdelay $0x2  }
0x91: {  	s15 =	simm.s32 $0xA;
	s4 =	simm.s32 $0x10  }
0x92: {  	[smem:s4], [sflag:s15] =	dma.local [hbm:s2], $0x1  }
0x93: {  	_ =	swait.eq [sflag:s15], $0x1  }
0x94: {  	[sflag:s15] =	ssyncset.done $0x0  }
0x95: {  	[sflag:s15] =	ssyncadd.s32 $0xFFFFFFFF  }
0x96: {  	s16 =	sld [smem:$0x10];
	(tm) =	ssettm $0x1  }
0x97: {  	s17 =	sld [smem:$0x3FFB];
	_ =	sdelay $0x3  }
0x98: {  	_ =	strace s17  }
0x99: {  	s3 =	sld [smem:$0x3FFC];
	_ =	sdelay $0x3  }
0x9a: {  	_ =	strace s3  }
0x9b: {  	s3 =	sld [smem:$0x3FFD];
	_ =	sdelay $0x3  }
0x9c: {  	_ =	strace s3  }
0x9d: {  	_ =	strace $0x8FFFFFFF  }
0x9e: {  	s18 =	sld [smem:$0x3FDB];
	_ =	sdelay $0x1  }
0x9f: {  	s19 =	simm.s32 $_scs_section_size  }
0xa0: {  	s5 =	simm.s32 $_size__tile_overlayer_lowered;
	s6 =	simm.s32 $_tile_overlayer_lowered  }
0xa1: {  	s22 =	simm.s32 $0x1BFF;
	s21 =	sshll.u32 s6, $0x1;
	s3 =	sadd.s32 s19, s18  }
0xa2: {  	s7 =	simm.s32 $0x0;
	s20 =	sshll.u32 s5, $0x1;
	s5 =	sadd.s32 s21, s3  }
0xa3: {  	[timem:s7], [sflag:s22] =	dma.local [hbm:s5], s20  }
0xa4: {  	_ =	swait.ge [sflag:s22], s20  }
0xa5: {  	s4 =	ssub.s32 $0x0, s20;
	[sflag:s22] =	ssyncset.done $0x0  }
0xa6: {  	[sflag:s22] =	ssyncadd.s32 s4;
	_ =	sdelay $0x1  }
0xa7: {  	s23 =	simm.s32 $0x1B8B  }
0xa8: {  	_ =	swait.ge [sflag:s23], $0x1  }
0xa9: {  	[sflag:s23] =	ssyncset.done $0x0  }
0xaa: {  	s25 =	simm.s32 $0x1B8E;
	s24 =	sld [smem:$0x3FFE];
	[sflag:s23] =	ssyncadd.s32 $0xFFFFFFFF  }
0xab: {  	s26 =	simm.s32 $execute0_lowered;
	[smem:$0x3FD2] =	sst s25  }
0xac: {  	s5 =	sshll.u32 s26, $0x1;
	_ =	strace $0x80000046;
	[dreg:$0x1] =	wrdreg $0xFFFFFFFF  }
0xad: {  	s28 =	simm.s32 $_size_execute0_lowered;
	s3 =	sadd.s32 s3, s5;
	[dreg:$0x0] =	wrdreg $0x0  }
0xae: {  	s5 =	sshll.u32 s28, $0x1;
	[dreg:$0x2] =	wrdreg s3  }
0xaf: {  	[dreg:$0x3] =	wrdreg s5  }
0xb0: {  	[dreg:$0x4] =	wrdreg $0xC0  }
0xb1: {  	_ =	task [dreg:s7], $0x5FFFF  }
0xb2: {  	[dreg:$0x1] =	wrdreg $0xFFFFFFFF  }
0xb3: {  	[dreg:$0x0] =	wrdreg $0x60  }
0xb4: {  	[dreg:$0x2] =	wrdreg s24  }
0xb5: {  	[dreg:$0x3] =	wrdreg s16  }
0xb6: {  	[dreg:$0x4] =	wrdreg $0x9  }
0xb7: {  	_ =	task.clear_ibuf [dreg:s7], $0x5FFFF;
	_ =	strace $0x90000046  }
0xb8: {  	s29 =	simm.s32 $0x9;
	_ =	strace $0x80000048  }
0xb9: {  	_ =	swait.ge [sflag:s29], $0x1  }
0xba: {  	[sflag:s29] =	ssyncadd.s32 $0xFFFFFFFF  }
0xbb: {  	_ =	strace $0x90000048  }
0xbc: {  	_ =	sfence  }
0xbd: {  	s30 =	sld [smem:$0x0];
	_ =	sdelay $0x2  }
0xbe: {  	s31 =	sshll.u32 s1, $0xD;
	s1 =	sshrl.u32 s1, $0x2  }
0xbf: {  	s3 =	sand.u32 $0x4000, s31;
	s1 =	sadd.s32 s1, s30  }
0xc0: {  	s0 =	sor.u32 s3, s0;
	s1 =	sshll.u32 s1, $0x11  }
0xc1: {  	s0 =	sor.u32 s1, s0  }
0xc2: {  	s0 =	sadd.s32 $0x8F2B, s0  }
0xc3: {  	[sflag:s0] =	ssyncadd.remote.s32 $0x1  }
0xc4: {  	_ =	sfence.sel $0xFFFF  }
0xc5: {  	[dreg:$0x0] =	wrdreg $0xFFFFFFFF;
	(pc) =	sbr.abs _section_cstart, $3  }
0xc6: {  	[dreg:$0x1] =	wrdreg $0xFFFFFFFF  }
0xc7: {  	_ =	task.clear_ibuf [dreg:s7], $0x2FFFF;
	_ =	strace $0x9FFFFFFF  }
0xc8: {  	(tm) =	ssettm $0x7FFFFFFF  }
0xc9: {  	_ =	shalt  }
tec
execute0_lowered:
.L_overlay_start_1:
0x0: {  	(tag) =	ssettag $0x1  }
0x1: {  	s1 =	srdreg.scid;
	s2 =	rddreg [dreg:$0x0]  }
0x2: {  	s0 =	stileid.u32;
	s3 =	rddreg [dreg:$0x1]  }
0x3: {  	s6 =	simm.s32 $0x1;
	s9 =	simm.s32 $0x1;
	s1 =	sshll.u32 s1, $0x6  }
0x4: {  	s10 =	simm.s32 $0x3;
	s4 =	sshll.u32 s0, $0x7;
	s5 =	sand.u32 $0x40, s1  }
0x5: {  	s13 =	simm.s32 $0x0;
	s12 =	simm.s32 $0x0;
	s4 =	sor.u32 s4, s5  }
0x6: {  	s1 =	rddreg [dreg:$0x2];
	_ =	strace $0x80000047;
	s8 =	ssub.s32 $0x1000, s4  }
.Ltmp0:
0x7: {  	s5 =	sadd.s32 $0x200, s2;
	s7 =	sand.u32 $0x7C0, s8;
	(pc) =	sbr.rel .LBB2_1-.Ltmp0, $4  }
0x8: {  	[sflag:s6] =	ssyncpa.u1 $0x0;
	s11 =	smov.u32 s4;
	p0 =	sne.s32 s7, $0x0  }
0x9: {  	s8 =	sshrl.u32 s8, $0xB;
	s7 =	simm.s32 $0x2;
	s9 =	simm.s32 @!p0 $0x0  }
0xa: {  	[sflag:s7] =	ssyncpa.u1 $0x0;
	p0 =	por $0x0, $0x0;
	s8 =	sadd.s32 s9, s8  }
0xb: {  	vm0 =	vmmov $0xffff;
	[sflag:s10] =	ssyncpa.u1 $0x0;
	s10 =	simm.s32 $0x0;
	s9 =	sadd.s32 $0x1, s8  }
.LBB2_4:
0xc: {  	v2 =	vnsel vm1, $0x0, v2  }
0xd: {  	vm1 =	vgt.s32 v0, $0x0;
	v2 =	vmin.u32 v2, $0xFFF  }
0xe: {  	v0 =	vnsel vm1, $0x0, v0  }
0xf: {  	v0 =	vmin.u32 v0, $0xFFF  }
0x10: {  	[tilespmem:s15], [sflag:$0x1] =	stream.indirect_vreg.gather [hbm4b:s2+s10], $0x1, v1, vm0, $0x4038;
	[tilespmem:$0x100] =	vst v63  }
0x11: {  	(ifvalue) =	ssetifvalue $0x7FFFFFFF  }
0x12: {  	[tilespmem:s16], [sflag:$0x1] =	stream.indirect_vreg.gather [hbm4b:s2+s10], $0x1, v2, vm0, $0x4038;
	[tilespmem:$0x100] =	vst v63  }
0x13: {  	s29 =	sadd.s32 $0x10, s16;
	(ifvalue) =	ssetifvalue $0x7FFFFFFF  }
0x14: {  	[tilespmem:s29], [sflag:$0x1] =	stream.indirect_vreg.gather [hbm4b:s2+s10], $0x1, v0, vm0, $0x4038;
	[tilespmem:$0x100] =	vst v63  }
0x15: {  	_ =	swait.ge [sflag:s6], $0x40  }
0x16: {  	s30 =	sshrl.u32 s13, $0x3;
	[sflag:s6] =	ssyncset.done $0x0  }
0x17: {  	s31 =	sand.u32 $0x7, s13;
	s15 =	sadd.s32 s5, s30;
	[sflag:s6] =	ssyncadd.s32 $0xFFFFFFC0  }
0x18: {  	[hbm4b:s15+s31] =	stream.linear.scatter [tilespmem:s14], [sflag:$0x3], $0x40, $0x38;
	[tilespmem:$0x100] =	vst v63  }
.LBB2_5:
0x19: {  	s15 =	sadd.s32 $0x800, s11  }
0x1a: {  	p2 =	sgt.s32 s15, $0xFFF  }
0x1b: {  	s15 =	smov.u32 @p2 s4;
	p2 =	sne.s32 s12, s9  }
.Ltmp1:
0x1c: {  	p1 =	slt.u32 s12, $0x2;
	(pc) =	sbr.rel @!p2 .LBB2_6-.Ltmp1, $4  }
0x1d: {  	s14 =	simm.s32 @!p1 $0x3  }
0x1e: {  	s16 =	sadd.s32 $0x1, s12;
	_ =	swait.ge @!p1 [sflag:s14], $0x40  }
0x1f: {  	s13 =	smov.u32 s11;
	p0 =	por !p0, !p0;
	[sflag:s14] =	ssyncset.done @!p1 $0x0  }
0x20: {  	s12 =	smov.u32 s16;
	s11 =	smov.u32 s15;
	[sflag:s14] =	ssyncadd.s32 @!p1 $0xFFFFFFC0  }
.LBB2_1:
0x21: {  	p1 =	sge.u32 s12, s8  }
0x22: {  	s14 =	sxor.u32 @!p1 $0xFFFFFFFF, s12  }
0x23: {  	s31 =	sadd.s32 $0xFFFFFFFF, s12;
	s15 =	sshrl.u32 @!p1 s11, $0x3;
	s14 =	sshll.u32 @!p1 s14, $0x6  }
0x24: {  	s16 =	sand.u32 @!p1 $0x7, s11;
	s15 =	sadd.s32 @!p1 s3, s15;
	s14 =	sand.u32 @!p1 $0x40, s14  }
0x25: {  	[tilespmem:s14], [sflag:$0x2] =	stream.linear.gather @!p1 [hbm4b:s15+s16], $0x40, $0x38;
	[tilespmem:$0x100] =	vst v63  }
0x26: {  	p1 =	sge.u32 s31, s8  }
.Ltmp2:
0x27: {  	_ = 	snop;
	(pc) =	sbr.rel @p1 .LBB2_5-.Ltmp2, $1  }
0x28: {  	_ =	sdelay $0x3  }
0x29: {  	s14 =	simm.s32 $0x1  }
0x2a: {  	_ =	swait.ge [sflag:s7], $0x40;
	s14 =	simm.s32 @!p0 $0x0  }
0x2b: {  	[sflag:s7] =	ssyncset.done $0x0;
	s14 =	sshll.u32 s14, $0x6  }
0x2c: {  	[sflag:s7] =	ssyncadd.s32 $0xFFFFFFC0;
	(ifvalue) =	ssetifvalue $0x7FFFFFFF;
	v0 =	vld.msk [tilespmem:s14+$0x0 ss:$0x1], $0xffff;
	_ =	sdelay $0x4  }
0x2d: {  	s15 =	sadd.s32 $0x10, s14;
	vm1 =	vgt.s32 v0, $0x0  }
0x2e: {  	v2 =	vld.msk [tilespmem:s15+$0x0 ss:$0x1], $0xffff;
	v1 =	vnsel vm1, $0x0, v0  }
0x2f: {  	v1 =	vmin.u32 v1, $0xFFF;
	_ =	sdelay $0x1  }
0x30: {  	s16 =	sshll.u32 s12, $0x6;
	s18 =	simm.s32 $0x20  }
0x31: {  	s16 =	sand.u32 $0x40, s16;
	s17 =	sadd.s32 $0x10, s15;
	s15 =	sor.u32 $0x80, s14  }
0x32: {  	s14 =	sor.u32 $0x80, s16;
	s16 =	sadd.s32 $0x10, s15;
	v0 =	vld.msk [tilespmem:s17+$0x0 ss:$0x1], $0xffff;
	vm1 =	vgt.s32 v2, $0x0;
	(ifvalue) =	ssetifvalue $0x7FFFFFFF  }
.LBB2_3:
0x33: {  	[tilespmem:s15], [sflag:$0x1] =	stream.indirect_vreg.gather [hbm4b:s2+s10], $0x1, v1, vm0, $0x4038;
	[tilespmem:$0x100] =	vst v63  }
0x34: {  	s18 =	sadd.s32 $0x10, s18  }
0x35: {  	v2 =	vnsel vm1, $0x0, v2;
	p1 =	slt.u32 s18, $0x30  }
.Ltmp3:
0x36: {  	s15 =	smov.u32 s16;
	v1 =	vmin.u32 v2, $0xFFF;
	(pc) =	sbr.rel @p1 .LBB2_3-.Ltmp3, $3  }
0x37: {  	_ =	sdelay $0x1  }
0x38: {  	s17 =	sadd.s32 $0x10, s17  }
0x39: {  	vm1 =	vgt.s32 v0, $0x0;
	s16 =	sadd.s32 $0x10, s16;
	v2 =	vmov v0;
	(ifvalue) =	ssetifvalue $0x7FFFFFFF;
	v0 =	vld.msk [tilespmem:s17+$0x0 ss:$0x1], $0xffff  }
.Ltmp4:
0x3a: {  	_ = 	snop;
	(pc) =	sbr.rel .LBB2_4-.Ltmp4, $1  }
0x3b: {  	_ =	sdelay $0x3  }
.LBB2_6:
0x3c: {  	_ =	sfence.sel $0x180000  }
0x3d: {  	s2 =	simm.s32 $0x2;
	[bflag:$0x0] =	sbarrier.arrive $0xFFFF  }
0x3e: {  	s30 =	simm.s32 $0x3;
	[sflag:s2] =	ssyncpa.u1 $0x1  }
0x3f: {  	s31 =	simm.s32 $0x1;
	[sflag:s30] =	ssyncpa.u1 $0x1  }
0x40: {  	[sflag:s31] =	ssyncpa.u1 $0x1  }
0x41: {  	p0 =	sne.s32 s0, $0x0;
	_ =	strace $0x90000047  }
0x42: {  	s0 =	sadd.s32 @!p0 $0x100000, s1;
	[bflag:$0x2] =	sbarrier.arrive $0xFFFF  }
0x43: {  	[sflag:s0] =	ssyncadd.tile.s32 @!p0 $0x1;
	_ =	shalt  }
.Lfunc_end2:
_tile_overlayer_lowered:
.L_overlay_start_2:
0x44: {  	(tag) =	ssettag $0x2  }
0x45: {  	s0 =	rddreg [dreg:$0x0];
	s2 =	stileid.u32  }
0x46: {  	s1 =	rddreg [dreg:$0x1];
	p0 =	sne.s32 s2, $0x0  }
0x47: {  	s3 =	rddreg [dreg:$0x2];
	[bflag:$0x3] =	sbarrier.arrive $0xFFFF;
	s2 =	simm.s32 @!p0 $0x1C01  }
0x48: {  	[timem:s3], [sflag:s2] =	dma.local @!p0 [hbm:s0], s1  }
0x49: {  	s0 =	simm.s32 @!p0 $0x1  }
0x4a: {  	_ =	swait.ge @!p0 [sflag:s0], s1  }
0x4b: {  	s1 =	ssub.s32 @!p0 $0x0, s1;
	[sflag:s0] =	ssyncset.done @!p0 $0x0  }
0x4c: {  	[sflag:s0] =	ssyncadd.s32 @!p0 s1  }
0x4d: {  	[bflag:$0x3] =	sbarrier.arrive $0xFFFF  }
0x4e: {  	_ =	shalt  }

</sc_bundles>
